<compile_context>
chip_gen: v7x
topology: tpu7x:2x2x1
jax: 0.10.2.dev20260603
libtpu: 0.0.44.dev20260713+nightly
codegen_flags: <defaults>
</compile_context>

<pallas_src>
import jax
import jax.numpy as jnp
from jax import lax
from jax.experimental import pallas as pl
from jax.experimental.pallas import tpu as pltpu
from jax.experimental.pallas import tpu_sc as plsc

D = 128
N = 10000
E = 320000
E2 = E // 2
H1 = 64
H2 = 32

NC = 2
NS = 16
NW = NC * NS
EW = E // NW
CHUNK = 80
NCHUNK = EW // CHUNK
NPAD = 10240
SL = NPAD // NS


def _proj_body(nf_ref, w1a_ref, w1b_ref, p_ref, q_ref):
    x = nf_ref[...]
    p_ref[...] = jnp.dot(x, w1a_ref[...], preferred_element_type=jnp.float32)
    q_ref[...] = jnp.dot(x, w1b_ref[...], preferred_element_type=jnp.float32)


def _project(nf, w1a, w1b):
    blk = 1000
    grid = N // blk
    return pl.pallas_call(
        _proj_body,
        grid=(grid,),
        in_specs=[
            pl.BlockSpec((blk, D), lambda i: (i, 0)),
            pl.BlockSpec((D, H1), lambda i: (0, 0)),
            pl.BlockSpec((D, H1), lambda i: (0, 0)),
        ],
        out_specs=[
            pl.BlockSpec((blk, H1), lambda i: (i, 0)),
            pl.BlockSpec((blk, H1), lambda i: (i, 0)),
        ],
        out_shape=[
            jax.ShapeDtypeStruct((N, H1), jnp.float32),
            jax.ShapeDtypeStruct((N, H1), jnp.float32),
        ],
    )(nf, w1a, w1b)


def _gather_sum_body(p_hbm, q_hbm, ei_hbm, out_hbm,
                     idx_s, idx_t, pa, qa, pb, qb,
                     sem_a, sem_b, osem_a, osem_b):
    wid = lax.axis_index("s") * NC + lax.axis_index("c")
    base = wid * EW
    col = base // E2
    r0 = base - col * E2

    pltpu.sync_copy(ei_hbm.at[0, pl.ds(base, EW)], idx_s)
    pltpu.sync_copy(ei_hbm.at[1, pl.ds(base, EW)], idx_t)

    def issue(j, prow, qrow, sem):
        cp = pltpu.async_copy(p_hbm.at[idx_s.at[pl.ds(j * CHUNK, CHUNK)]], prow, sem)
        cq = pltpu.async_copy(q_hbm.at[idx_t.at[pl.ds(j * CHUNK, CHUNK)]], qrow, sem)
        return cp, cq

    def drain(j, prow, qrow, sem, osem):
        pltpu.make_async_copy(p_hbm.at[idx_s.at[pl.ds(j * CHUNK, CHUNK)]], prow, sem).wait()
        pltpu.make_async_copy(q_hbm.at[idx_t.at[pl.ds(j * CHUNK, CHUNK)]], qrow, sem).wait()

        def add_row(r, _):
            for k in range(H1 // 16):
                sl = pl.ds(k * 16, 16)
                plsc.addupdate(prow.at[r, sl], qrow[r, sl])
            return 0

        lax.fori_loop(0, CHUNK, add_row, 0)
        pltpu.async_copy(
            prow, out_hbm.at[pl.ds(r0 + j * CHUNK, CHUNK), pl.ds(col * H1, H1)],
            osem)

    def wait_out(j, prow, osem):
        pltpu.make_async_copy(
            prow, out_hbm.at[pl.ds(r0 + j * CHUNK, CHUNK), pl.ds(col * H1, H1)],
            osem).wait()

    npair = NCHUNK // 2
    issue(0, pa, qa, sem_a)

    def pair_body(g, _):
        j0 = g * 2
        issue(j0 + 1, pb, qb, sem_b)
        drain(j0, pa, qa, sem_a, osem_a)

        @pl.when(j0 + 2 < NCHUNK)
        def _():
            wait_out(j0, pa, osem_a)
            issue(j0 + 2, pa, qa, sem_a)

        drain(j0 + 1, pb, qb, sem_b, osem_b)

        @pl.when(g + 1 < npair)
        def _():
            wait_out(j0 + 1, pb, osem_b)
        return 0

    lax.fori_loop(0, npair, pair_body, 0)
    drain(NCHUNK - 1, pa, qa, sem_a, osem_a)
    wait_out(NCHUNK - 2, pb, osem_b)
    wait_out(NCHUNK - 1, pa, osem_a)


def _gather_sum(p, q, edge_index):
    mesh = plsc.VectorSubcoreMesh(core_axis_name="c", subcore_axis_name="s")
    kern = pl.kernel(
        _gather_sum_body,
        out_type=jax.ShapeDtypeStruct((E2, 2 * H1), jnp.float32),
        mesh=mesh,
        scratch_types=[
            pltpu.VMEM((EW,), jnp.int32),
            pltpu.VMEM((EW,), jnp.int32),
            pltpu.VMEM((CHUNK, H1), jnp.float32),
            pltpu.VMEM((CHUNK, H1), jnp.float32),
            pltpu.VMEM((CHUNK, H1), jnp.float32),
            pltpu.VMEM((CHUNK, H1), jnp.float32),
            pltpu.SemaphoreType.DMA,
            pltpu.SemaphoreType.DMA,
            pltpu.SemaphoreType.DMA,
            pltpu.SemaphoreType.DMA,
        ],
        compiler_params=pltpu.CompilerParams(use_tc_tiling_on_sc=False, needs_layout_passes=False),
    )
    return kern(p, q, edge_index)


def _tail_body(s_ref, b1_ref, w2_ref, b2_ref, w3_ref, b3_ref,
               cs_ref, ssum_ref, viol_ref):
    i = pl.program_id(0)
    x = s_ref[...]
    b1r = b1_ref[...]
    b2r = b2_ref[...]
    w2 = w2_ref[...]
    w3 = w3_ref[...]
    b3 = b3_ref[0, 0]

    ha = jnp.maximum(x[:, :H1] + b1r, 0.0)
    hb = jnp.maximum(x[:, H1:] + b1r, 0.0)
    h2a = jnp.maximum(jnp.dot(ha, w2, preferred_element_type=jnp.float32) + b2r, 0.0)
    h2b = jnp.maximum(jnp.dot(hb, w2, preferred_element_type=jnp.float32) + b2r, 0.0)
    za = jnp.dot(h2a, w3, preferred_element_type=jnp.float32)
    zb = jnp.dot(h2b, w3, preferred_element_type=jnp.float32)
    zT = jnp.concatenate([jnp.transpose(za), jnp.transpose(zb)], axis=0) + b3
    scT = 1.0 / (1.0 + jnp.exp(-zT))
    mT = scT < 0.7
    coeffT = jnp.where(mT, 0.05 * (1.0 - scT), 0.0)
    cs_ref[...] = jnp.concatenate([coeffT, scT], axis=0)

    @pl.when(i == 0)
    def _():
        ssum_ref[...] = jnp.zeros((1, 1), jnp.float32)
        viol_ref[...] = jnp.zeros((1, 1), jnp.float32)

    ssum_ref[...] += jnp.sum(scT).reshape(1, 1)
    viol_ref[...] += jnp.sum(mT.astype(jnp.float32)).reshape(1, 1)


def _mlp_tail(s2, b1, w2, b2, w3, b3):
    blk = 3200
    grid = E2 // blk
    return pl.pallas_call(
        _tail_body,
        grid=(grid,),
        in_specs=[
            pl.BlockSpec((blk, 2 * H1), lambda i: (i, 0)),
            pl.BlockSpec((1, H1), lambda i: (0, 0)),
            pl.BlockSpec((H1, H2), lambda i: (0, 0)),
            pl.BlockSpec((1, H2), lambda i: (0, 0)),
            pl.BlockSpec((H2, 1), lambda i: (0, 0)),
            pl.BlockSpec((1, 1), lambda i: (0, 0)),
        ],
        out_specs=[
            pl.BlockSpec((4, blk), lambda i: (0, i)),
            pl.BlockSpec((1, 1), lambda i: (0, 0)),
            pl.BlockSpec((1, 1), lambda i: (0, 0)),
        ],
        out_shape=[
            jax.ShapeDtypeStruct((4, E2), jnp.float32),
            jax.ShapeDtypeStruct((1, 1), jnp.float32),
            jax.ShapeDtypeStruct((1, 1), jnp.float32),
        ],
    )(s2, b1.reshape(1, H1), w2, b2.reshape(1, H2), w3, b3.reshape(1, 1))


def _segsum_body(cs_hbm, ei_hbm, w_hbm,
                 coeff_v, src_v, tgt_v, w_loc, acc_v, tmp_v, shared):
    cid = lax.axis_index("c")
    sid = lax.axis_index("s")
    wid = sid * NC + cid
    base = wid * EW
    col = base // E2
    r0 = base - col * E2

    pltpu.sync_copy(cs_hbm.at[col, pl.ds(r0, EW)], coeff_v)
    pltpu.sync_copy(ei_hbm.at[0, pl.ds(base, EW)], src_v)
    pltpu.sync_copy(ei_hbm.at[1, pl.ds(base, EW)], tgt_v)

    def zero_body(i, _):
        w_loc[pl.ds(i * 16, 16)] = jnp.zeros((16,), jnp.float32)
        return 0

    lax.fori_loop(0, NPAD // 16, zero_body, 0)

    def edge_body(i, _):
        sl = pl.ds(i * 16, 16)
        cf = coeff_v[sl]
        plsc.addupdate_scatter(w_loc, [src_v[sl]], cf)
        plsc.addupdate_scatter(w_loc, [tgt_v[sl]], cf)
        return 0

    lax.fori_loop(0, EW // 16, edge_body, 0)

    pltpu.sync_copy(w_loc, shared.at[sid])
    plsc.subcore_barrier()

    colsl = pl.ds(sid * SL, SL)
    pltpu.sync_copy(shared.at[0, colsl], acc_v)
    for r in range(1, NS):
        pltpu.sync_copy(shared.at[r, colsl], tmp_v)

        def add_body(i, _):
            sl = pl.ds(i * 16, 16)
            acc_v[sl] += tmp_v[sl]
            return 0

        lax.fori_loop(0, SL // 16, add_body, 0)

    pltpu.sync_copy(acc_v, w_hbm.at[cid, colsl])


def _segment_sum(cs, edge_index):
    mesh = plsc.VectorSubcoreMesh(core_axis_name="c", subcore_axis_name="s")
    kern = pl.kernel(
        _segsum_body,
        out_type=jax.ShapeDtypeStruct((NC, NPAD), jnp.float32),
        mesh=mesh,
        scratch_types=[
            pltpu.VMEM((EW,), jnp.float32),
            pltpu.VMEM((EW,), jnp.int32),
            pltpu.VMEM((EW,), jnp.int32),
            pltpu.VMEM((NPAD,), jnp.float32),
            pltpu.VMEM((SL,), jnp.float32),
            pltpu.VMEM((SL,), jnp.float32),
            pltpu.VMEM_SHARED((NS, NPAD), jnp.float32),
        ],
        compiler_params=pltpu.CompilerParams(use_tc_tiling_on_sc=False, needs_layout_passes=False),
    )
    return kern(cs, edge_index)


def _update_body(nf_ref, w_ref, out_ref):
    x = nf_ref[...]
    out_ref[...] = x + w_ref[...] * jnp.tanh(x)


def _apply_update(nf, w_col):
    blk = 1000
    grid = N // blk
    return pl.pallas_call(
        _update_body,
        grid=(grid,),
        in_specs=[
            pl.BlockSpec((blk, D), lambda i: (i, 0)),
            pl.BlockSpec((blk, 1), lambda i: (i, 0)),
        ],
        out_specs=pl.BlockSpec((blk, D), lambda i: (i, 0)),
        out_shape=jax.ShapeDtypeStruct((N, D), jnp.float32),
    )(nf, w_col)


@jax.jit
def _run(node_features, edge_index, W1, b1, W2, b2, W3, b3):
    ei = edge_index.astype(jnp.int32)

    p, q = _project(node_features, W1[:D], W1[D:])
    s2 = _gather_sum(p, q, ei)
    cs, ssum, viol = _mlp_tail(s2, b1, W2, b2, W3, b3)
    scores = cs[2:4].reshape(E)
    wpair = _segment_sum(cs, ei)
    w_col = (wpair[0, :N] + wpair[1, :N]).reshape(N, 1)
    updated = _apply_update(node_features, w_col)

    avg = ssum[0, 0] / jnp.float32(E)
    nviol = viol[0, 0].astype(jnp.int32)
    return updated, scores, avg, nviol


def kernel(node_features, edge_index, node_positions, node_radii,
           W1, b1, W2, b2, W3, b3):
    return _run(node_features, edge_index, W1, b1, W2, b2, W3, b3)

# --- scband reference (transcript-rebuilt; emitter-appended) ---
"""Pipeline reference for scband-vessel-continuity-module-85856396247191 (READ-ONLY COPY).

The authoritative reference and input builder live on the scoring server;
editing this copy changes nothing except your own understanding.
"""

import jax, jax.numpy as jnp
import numpy as np

FEATURE_DIM = 128
N_NODES = 10000
N_EDGES = 320000

def setup_inputs(seed: int = 0) -> dict:
    key = jax.random.key(seed)
    ks = jax.random.split(key, 12)
    node_features = jax.random.normal(ks[0], (N_NODES, FEATURE_DIM), dtype=jnp.float32)
    edge_index = jax.random.randint(ks[1], (2, N_EDGES), 0, N_NODES, dtype=jnp.int64)
    node_positions = jax.random.normal(ks[2], (N_NODES, 3), dtype=jnp.float32)
    node_radii = jax.random.uniform(ks[3], (N_NODES,), dtype=jnp.float32)
    # continuity_analyzer MLP params: Linear(2d,64) -> ReLU -> Linear(64,32) -> ReLU -> Linear(32,1) -> Sigmoid
    s1 = 1.0 / np.sqrt(FEATURE_DIM * 2)
    s2 = 1.0 / np.sqrt(64)
    s3 = 1.0 / np.sqrt(32)
    W1 = jax.random.uniform(ks[4], (FEATURE_DIM * 2, 64), dtype=jnp.float32, minval=-s1, maxval=s1)
    b1 = jax.random.uniform(ks[5], (64,), dtype=jnp.float32, minval=-s1, maxval=s1)
    W2 = jax.random.uniform(ks[6], (64, 32), dtype=jnp.float32, minval=-s2, maxval=s2)
    b2 = jax.random.uniform(ks[7], (32,), dtype=jnp.float32, minval=-s2, maxval=s2)
    W3 = jax.random.uniform(ks[8], (32, 1), dtype=jnp.float32, minval=-s3, maxval=s3)
    b3 = jax.random.uniform(ks[9], (1,), dtype=jnp.float32, minval=-s3, maxval=s3)
    return {"node_features": node_features, "edge_index": edge_index,
            "node_positions": node_positions, "node_radii": node_radii,
            "W1": W1, "b1": b1, "W2": W2, "b2": b2, "W3": W3, "b3": b3}

def reference(node_features, edge_index, node_positions, node_radii, W1, b1, W2, b2, W3, b3):
    d = node_features.shape[1]
    src = edge_index[0]
    tgt = edge_index[1]
    src_feat = jnp.take(node_features, src, axis=0)   # gather [E, d]
    tgt_feat = jnp.take(node_features, tgt, axis=0)   # gather [E, d]
    combined = jnp.concatenate([src_feat, tgt_feat], axis=1)  # [E, 2d]
    h = jax.nn.relu(combined @ W1 + b1)
    h = jax.nn.relu(h @ W2 + b2)
    score = jax.nn.sigmoid(h @ W3 + b3)  # [E, 1]
    # branch on score < 0.7 (a constant w.r.t. grad, mirrors torch .item() branch)
    mask = (score < 0.7).astype(node_features.dtype)  # [E, 1]
    continuity_signal = (1.0 - score) * jnp.tanh(combined)  # [E, 2d]
    delta = 0.05 * mask * continuity_signal
    updated_features = node_features
    updated_features = updated_features.at[src].add(delta[:, :d])
    updated_features = updated_features.at[tgt].add(delta[:, d:2 * d])
    continuity_scores = score[:, 0]
    avg_continuity = jnp.mean(continuity_scores)
    num_violations = jnp.sum(continuity_scores < 0.7)
    return updated_features, continuity_scores, avg_continuity, num_violations

if __name__ == "__main__":
    import jax
    _d = setup_inputs()
    print(jax.jit(kernel)(*tuple(_d.values())))

</pallas_src>

<mosaic_0001>
#map = affine_map<(d0, d1) -> (0, 0)>
module attributes {stable_mosaic.version = 14 : i64} {
  func.func @_gather_sum_body(%arg0: i32, %arg1: i32, %arg2: memref<10000x64xf32, #tpu.memory_space<hbm>>, %arg3: memref<10000x64xf32, #tpu.memory_space<hbm>>, %arg4: memref<2x320000xi32, #tpu.memory_space<hbm>>, %arg5: memref<160000x128xf32, #tpu.memory_space<hbm>>, %arg6: memref<10000xi32, #tpu.memory_space<vmem>>, %arg7: memref<10000xi32, #tpu.memory_space<vmem>>, %arg8: memref<80x64xf32, #tpu.memory_space<vmem>>, %arg9: memref<80x64xf32, #tpu.memory_space<vmem>>, %arg10: memref<80x64xf32, #tpu.memory_space<vmem>>, %arg11: memref<80x64xf32, #tpu.memory_space<vmem>>, %arg12: memref<!tpu.dma_semaphore, #tpu.memory_space<semaphore_mem>>, %arg13: memref<!tpu.dma_semaphore, #tpu.memory_space<semaphore_mem>>, %arg14: memref<!tpu.dma_semaphore, #tpu.memory_space<semaphore_mem>>, %arg15: memref<!tpu.dma_semaphore, #tpu.memory_space<semaphore_mem>>) attributes {dimension_semantics = [#tpu.dimension_semantics<core_parallel>, #tpu.dimension_semantics<subcore_parallel>], iteration_bounds = array<i64: 2, 16>, scalar_prefetch = 0 : i64, scratch_operands = 10 : i64, tpu.core_type = #tpu.core_type<sc_vector_subcore>, window_params = [{transform_indices = #map}, {transform_indices = #map}, {transform_indices = #map}, {transform_indices = #map}]} {
    %mul3A = arith.constant 2 : i32
    %mul3A_0 = arith.muli %arg1, %mul3A : i32
    %add3A = arith.addi %mul3A_0, %arg0 : i32
    %mul3A_1 = arith.constant 10000 : i32
    %mul3A_2 = arith.muli %add3A, %mul3A_1 : i32
    %jit3A = arith.constant 160000 : i32
    %div3A = arith.divsi %mul3A_2, %jit3A : i32
    %sign3A = arith.constant 0 : i32
    %sign3A_3 = arith.cmpi sgt, %mul3A_2, %sign3A : i32
    %sign3A_4 = arith.extui %sign3A_3 : i1 to i32
    %sign3A_5 = arith.constant 0 : i32
    %sign3A_6 = arith.cmpi slt, %mul3A_2, %sign3A_5 : i32
    %sign3A_7 = arith.extui %sign3A_6 : i1 to i32
    %sign3A_8 = arith.subi %sign3A_4, %sign3A_7 : i32
    %sign3A_9 = arith.constant 0 : i32
    %sign3A_10 = arith.cmpi sgt, %jit3A, %sign3A_9 : i32
    %sign3A_11 = arith.extui %sign3A_10 : i1 to i32
    %sign3A_12 = arith.constant 0 : i32
    %sign3A_13 = arith.cmpi slt, %jit3A, %sign3A_12 : i32
    %sign3A_14 = arith.extui %sign3A_13 : i1 to i32
    %sign3A_15 = arith.subi %sign3A_11, %sign3A_14 : i32
    %ne3A = arith.cmpi ne, %sign3A_8, %sign3A_15 : i32
    %rem3A = arith.remsi %mul3A_2, %jit3A : i32
    %ne3A_16 = arith.constant 0 : i32
    %ne3A_17 = arith.cmpi ne, %rem3A, %ne3A_16 : i32
    %and3A = arith.andi %ne3A, %ne3A_17 : i1
    %sub3A = arith.constant 1 : i32
    %sub3A_18 = arith.subi %div3A, %sub3A : i32
    %select_n3A = arith.select %and3A, %sub3A_18, %div3A : i32
    %mul3A_19 = arith.constant 160000 : i32
    %mul3A_20 = arith.muli %select_n3A, %mul3A_19 : i32
    %sub3A_21 = arith.subi %mul3A_2, %mul3A_20 : i32
    %run_scoped3A = arith.constant 0 : i32
    "tpu.region"() ({
      %run_scoped3A_72 = tpu.sem_alloc : memref<!tpu.dma_semaphore, #tpu.memory_space<semaphore_mem>>
      %dma_start3A_73 = tpu.memref_slice %arg4[%run_scoped3A, %mul3A_2] : memref<2x320000xi32, #tpu.memory_space<hbm>> -> memref<1x10000xi32, #tpu.memory_space<hbm>>
      %dma_start3A_74 = tpu.memref_squeeze %dma_start3A_73 : memref<1x10000xi32, #tpu.memory_space<hbm>> -> memref<10000xi32, #tpu.memory_space<hbm>>
      %dma_start3A_75 = tpu.memref_slice %arg4[%run_scoped3A, %mul3A_2] : memref<2x320000xi32, #tpu.memory_space<hbm>> -> memref<1x10000xi32, #tpu.memory_space<hbm>>
      %dma_start3A_76 = tpu.memref_squeeze %dma_start3A_75 : memref<1x10000xi32, #tpu.memory_space<hbm>> -> memref<10000xi32, #tpu.memory_space<hbm>>
      tpu.enqueue_dma source(%dma_start3A_76 : memref<10000xi32, #tpu.memory_space<hbm>>) target(%arg6 : memref<10000xi32, #tpu.memory_space<vmem>>) target_semaphore(%run_scoped3A_72 : memref<!tpu.dma_semaphore, #tpu.memory_space<semaphore_mem>>)
      %dma_wait3A_77 = tpu.memref_slice %arg4[%run_scoped3A, %mul3A_2] : memref<2x320000xi32, #tpu.memory_space<hbm>> -> memref<1x10000xi32, #tpu.memory_space<hbm>>
      %dma_wait3A_78 = tpu.memref_squeeze %dma_wait3A_77 : memref<1x10000xi32, #tpu.memory_space<hbm>> -> memref<10000xi32, #tpu.memory_space<hbm>>
      %dma_wait3A_79 = tpu.memref_slice %arg4[%run_scoped3A, %mul3A_2] : memref<2x320000xi32, #tpu.memory_space<hbm>> -> memref<1x10000xi32, #tpu.memory_space<hbm>>
      %dma_wait3A_80 = tpu.memref_squeeze %dma_wait3A_79 : memref<1x10000xi32, #tpu.memory_space<hbm>> -> memref<10000xi32, #tpu.memory_space<hbm>>
      tpu.wait_dma2 semaphore(%run_scoped3A_72 : memref<!tpu.dma_semaphore, #tpu.memory_space<semaphore_mem>>) src(%dma_wait3A_80 : memref<10000xi32, #tpu.memory_space<hbm>>) dst(%arg6 : memref<10000xi32, #tpu.memory_space<vmem>>)
      tpu.yield
    }) : () -> ()
    %run_scoped3A_22 = arith.constant 1 : i32
    "tpu.region"() ({
      %run_scoped3A_72 = tpu.sem_alloc : memref<!tpu.dma_semaphore, #tpu.memory_space<semaphore_mem>>
      %dma_start3A_73 = tpu.memref_slice %arg4[%run_scoped3A_22, %mul3A_2] : memref<2x320000xi32, #tpu.memory_space<hbm>> -> memref<1x10000xi32, #tpu.memory_space<hbm>>
      %dma_start3A_74 = tpu.memref_squeeze %dma_start3A_73 : memref<1x10000xi32, #tpu.memory_space<hbm>> -> memref<10000xi32, #tpu.memory_space<hbm>>
      %dma_start3A_75 = tpu.memref_slice %arg4[%run_scoped3A_22, %mul3A_2] : memref<2x320000xi32, #tpu.memory_space<hbm>> -> memref<1x10000xi32, #tpu.memory_space<hbm>>
      %dma_start3A_76 = tpu.memref_squeeze %dma_start3A_75 : memref<1x10000xi32, #tpu.memory_space<hbm>> -> memref<10000xi32, #tpu.memory_space<hbm>>
      tpu.enqueue_dma source(%dma_start3A_76 : memref<10000xi32, #tpu.memory_space<hbm>>) target(%arg7 : memref<10000xi32, #tpu.memory_space<vmem>>) target_semaphore(%run_scoped3A_72 : memref<!tpu.dma_semaphore, #tpu.memory_space<semaphore_mem>>)
      %dma_wait3A_77 = tpu.memref_slice %arg4[%run_scoped3A_22, %mul3A_2] : memref<2x320000xi32, #tpu.memory_space<hbm>> -> memref<1x10000xi32, #tpu.memory_space<hbm>>
      %dma_wait3A_78 = tpu.memref_squeeze %dma_wait3A_77 : memref<1x10000xi32, #tpu.memory_space<hbm>> -> memref<10000xi32, #tpu.memory_space<hbm>>
      %dma_wait3A_79 = tpu.memref_slice %arg4[%run_scoped3A_22, %mul3A_2] : memref<2x320000xi32, #tpu.memory_space<hbm>> -> memref<1x10000xi32, #tpu.memory_space<hbm>>
      %dma_wait3A_80 = tpu.memref_squeeze %dma_wait3A_79 : memref<1x10000xi32, #tpu.memory_space<hbm>> -> memref<10000xi32, #tpu.memory_space<hbm>>
      tpu.wait_dma2 semaphore(%run_scoped3A_72 : memref<!tpu.dma_semaphore, #tpu.memory_space<semaphore_mem>>) src(%dma_wait3A_80 : memref<10000xi32, #tpu.memory_space<hbm>>) dst(%arg7 : memref<10000xi32, #tpu.memory_space<vmem>>)
      tpu.yield
    }) : () -> ()
    %dma_start3A = arith.constant 0 : i32
    %dma_start3A_23 = tpu.memref_slice %arg6[%dma_start3A] : memref<10000xi32, #tpu.memory_space<vmem>> -> memref<80xi32, #tpu.memory_space<vmem>>
    %dma_start3A_24 = arith.constant 0 : i32
    %dma_start3A_25 = arith.constant 0 : i32
    %dma_start3A_26 = tpu.memref_slice %arg2[%dma_start3A_24, %dma_start3A_25] : memref<10000x64xf32, #tpu.memory_space<hbm>> -> memref<10000x64xf32, #tpu.memory_space<hbm>>
    tpu.enqueue_indirect_dma source(%dma_start3A_26 : memref<10000x64xf32, #tpu.memory_space<hbm>>) target(%arg8 : memref<80x64xf32, #tpu.memory_space<vmem>>) offsets(%dma_start3A_23 : memref<80xi32, #tpu.memory_space<vmem>>) semaphore(%arg12 : memref<!tpu.dma_semaphore, #tpu.memory_space<semaphore_mem>>)
    %dma_start3A_27 = arith.constant 0 : i32
    %dma_start3A_28 = tpu.memref_slice %arg7[%dma_start3A_27] : memref<10000xi32, #tpu.memory_space<vmem>> -> memref<80xi32, #tpu.memory_space<vmem>>
    %dma_start3A_29 = arith.constant 0 : i32
    %dma_start3A_30 = arith.constant 0 : i32
    %dma_start3A_31 = tpu.memref_slice %arg3[%dma_start3A_29, %dma_start3A_30] : memref<10000x64xf32, #tpu.memory_space<hbm>> -> memref<10000x64xf32, #tpu.memory_space<hbm>>
    tpu.enqueue_indirect_dma source(%dma_start3A_31 : memref<10000x64xf32, #tpu.memory_space<hbm>>) target(%arg9 : memref<80x64xf32, #tpu.memory_space<vmem>>) offsets(%dma_start3A_28 : memref<80xi32, #tpu.memory_space<vmem>>) semaphore(%arg12 : memref<!tpu.dma_semaphore, #tpu.memory_space<semaphore_mem>>)
    %scan3A = arith.constant 0 : i32
    %scan3A_32 = arith.constant 0 : i32
    %scan3A_33 = arith.constant 62 : i32
    %scan3A_34 = arith.addi %scan3A_32, %scan3A_33 : i32
    %scan3A_35 = arith.constant 1 : i32
    %scan3A_36 = scf.for %scan3A_72 = %scan3A_32 to %scan3A_34 step %scan3A_35 iter_args(%scan3A_73 = %scan3A) -> (i32)  : i32 {
      %mul3A_74 = arith.constant 2 : i32
      %mul3A_75 = arith.muli %scan3A_72, %mul3A_74 : i32
      %add3A_76 = arith.constant 1 : i32
      %add3A_77 = arith.addi %mul3A_75, %add3A_76 : i32
      %mul3A_78 = arith.constant 80 : i32
      %mul3A_79 = arith.muli %add3A_77, %mul3A_78 : i32
      %dma_start3A_80 = tpu.memref_slice %arg6[%mul3A_79] : memref<10000xi32, #tpu.memory_space<vmem>> -> memref<80xi32, #tpu.memory_space<vmem>>
      %dma_start3A_81 = arith.constant 0 : i32
      %dma_start3A_82 = arith.constant 0 : i32
      %dma_start3A_83 = tpu.memref_slice %arg2[%dma_start3A_81, %dma_start3A_82] : memref<10000x64xf32, #tpu.memory_space<hbm>> -> memref<10000x64xf32, #tpu.memory_space<hbm>>
      tpu.enqueue_indirect_dma source(%dma_start3A_83 : memref<10000x64xf32, #tpu.memory_space<hbm>>) target(%arg10 : memref<80x64xf32, #tpu.memory_space<vmem>>) offsets(%dma_start3A_80 : memref<80xi32, #tpu.memory_space<vmem>>) semaphore(%arg13 : memref<!tpu.dma_semaphore, #tpu.memory_space<semaphore_mem>>)
      %mul3A_84 = arith.constant 80 : i32
      %mul3A_85 = arith.muli %add3A_77, %mul3A_84 : i32
      %dma_start3A_86 = tpu.memref_slice %arg7[%mul3A_85] : memref<10000xi32, #tpu.memory_space<vmem>> -> memref<80xi32, #tpu.memory_space<vmem>>
      %dma_start3A_87 = arith.constant 0 : i32
      %dma_start3A_88 = arith.constant 0 : i32
      %dma_start3A_89 = tpu.memref_slice %arg3[%dma_start3A_87, %dma_start3A_88] : memref<10000x64xf32, #tpu.memory_space<hbm>> -> memref<10000x64xf32, #tpu.memory_space<hbm>>
      tpu.enqueue_indirect_dma source(%dma_start3A_89 : memref<10000x64xf32, #tpu.memory_space<hbm>>) target(%arg11 : memref<80x64xf32, #tpu.memory_space<vmem>>) offsets(%dma_start3A_86 : memref<80xi32, #tpu.memory_space<vmem>>) semaphore(%arg13 : memref<!tpu.dma_semaphore, #tpu.memory_space<semaphore_mem>>)
      %mul3A_90 = arith.constant 80 : i32
      %mul3A_91 = arith.muli %mul3A_75, %mul3A_90 : i32
      %dma_wait3A_92 = tpu.memref_slice %arg6[%mul3A_91] : memref<10000xi32, #tpu.memory_space<vmem>> -> memref<80xi32, #tpu.memory_space<vmem>>
      %dma_wait3A_93 = arith.constant 0 : i32
      %dma_wait3A_94 = arith.constant 0 : i32
      %dma_wait3A_95 = tpu.memref_slice %arg2[%dma_wait3A_93, %dma_wait3A_94] : memref<10000x64xf32, #tpu.memory_space<hbm>> -> memref<10000x64xf32, #tpu.memory_space<hbm>>
      tpu.wait_indirect_dma semaphore(%arg12 : memref<!tpu.dma_semaphore, #tpu.memory_space<semaphore_mem>>) src(%dma_wait3A_95 : memref<10000x64xf32, #tpu.memory_space<hbm>>) dst(%arg8 : memref<80x64xf32, #tpu.memory_space<vmem>>)
      %mul3A_96 = arith.constant 80 : i32
      %mul3A_97 = arith.muli %mul3A_75, %mul3A_96 : i32
      %dma_wait3A_98 = tpu.memref_slice %arg7[%mul3A_97] : memref<10000xi32, #tpu.memory_space<vmem>> -> memref<80xi32, #tpu.memory_space<vmem>>
      %dma_wait3A_99 = arith.constant 0 : i32
      %dma_wait3A_100 = arith.constant 0 : i32
      %dma_wait3A_101 = tpu.memref_slice %arg3[%dma_wait3A_99, %dma_wait3A_100] : memref<10000x64xf32, #tpu.memory_space<hbm>> -> memref<10000x64xf32, #tpu.memory_space<hbm>>
      tpu.wait_indirect_dma semaphore(%arg12 : memref<!tpu.dma_semaphore, #tpu.memory_space<semaphore_mem>>) src(%dma_wait3A_101 : memref<10000x64xf32, #tpu.memory_space<hbm>>) dst(%arg9 : memref<80x64xf32, #tpu.memory_space<vmem>>)
      %scan3A_102 = arith.constant 0 : i32
      %scan3A_103 = arith.constant 0 : i32
      %scan3A_104 = arith.constant 80 : i32
      %scan3A_105 = arith.addi %scan3A_103, %scan3A_104 : i32
      %scan3A_106 = arith.constant 1 : i32
      %scan3A_107 = scf.for %scan3A_156 = %scan3A_103 to %scan3A_105 step %scan3A_106 iter_args(%scan3A_157 = %scan3A_102) -> (i32)  : i32 {
        %get3A = arith.index_cast %scan3A_156 : i32 to index
        %get3A_158 = arith.constant 0 : index
        %get3A_159 = tpu.vector_load %arg9[%get3A, %get3A_158] {strides = array<i32>} : memref<80x64xf32, #tpu.memory_space<vmem>>, vector<16xf32>,
        %swap3A = arith.index_cast %scan3A_156 : i32 to index
        %swap3A_160 = arith.constant 0 : index
        %swap3A_161 = tpu.vector_load %arg8[%swap3A, %swap3A_160] {strides = array<i32>} : memref<80x64xf32, #tpu.memory_space<vmem>>, vector<16xf32>,
        tpu.vector_store %arg8[%swap3A, %swap3A_160], %get3A_159 {add = true, strides = array<i32>} : memref<80x64xf32, #tpu.memory_space<vmem>>, vector<16xf32>,
        %get3A_162 = arith.index_cast %scan3A_156 : i32 to index
        %get3A_163 = arith.constant 16 : index
        %get3A_164 = tpu.vector_load %arg9[%get3A_162, %get3A_163] {strides = array<i32>} : memref<80x64xf32, #tpu.memory_space<vmem>>, vector<16xf32>,
        %swap3A_165 = arith.index_cast %scan3A_156 : i32 to index
        %swap3A_166 = arith.constant 16 : index
        %swap3A_167 = tpu.vector_load %arg8[%swap3A_165, %swap3A_166] {strides = array<i32>} : memref<80x64xf32, #tpu.memory_space<vmem>>, vector<16xf32>,
        tpu.vector_store %arg8[%swap3A_165, %swap3A_166], %get3A_164 {add = true, strides = array<i32>} : memref<80x64xf32, #tpu.memory_space<vmem>>, vector<16xf32>,
        %get3A_168 = arith.index_cast %scan3A_156 : i32 to index
        %get3A_169 = arith.constant 32 : index
        %get3A_170 = tpu.vector_load %arg9[%get3A_168, %get3A_169] {strides = array<i32>} : memref<80x64xf32, #tpu.memory_space<vmem>>, vector<16xf32>,
        %swap3A_171 = arith.index_cast %scan3A_156 : i32 to index
        %swap3A_172 = arith.constant 32 : index
        %swap3A_173 = tpu.vector_load %arg8[%swap3A_171, %swap3A_172] {strides = array<i32>} : memref<80x64xf32, #tpu.memory_space<vmem>>, vector<16xf32>,
        tpu.vector_store %arg8[%swap3A_171, %swap3A_172], %get3A_170 {add = true, strides = array<i32>} : memref<80x64xf32, #tpu.memory_space<vmem>>, vector<16xf32>,
        %get3A_174 = arith.index_cast %scan3A_156 : i32 to index
        %get3A_175 = arith.constant 48 : index
        %get3A_176 = tpu.vector_load %arg9[%get3A_174, %get3A_175] {strides = array<i32>} : memref<80x64xf32, #tpu.memory_space<vmem>>, vector<16xf32>,
        %swap3A_177 = arith.index_cast %scan3A_156 : i32 to index
        %swap3A_178 = arith.constant 48 : index
        %swap3A_179 = tpu.vector_load %arg8[%swap3A_177, %swap3A_178] {strides = array<i32>} : memref<80x64xf32, #tpu.memory_space<vmem>>, vector<16xf32>,
        tpu.vector_store %arg8[%swap3A_177, %swap3A_178], %get3A_176 {add = true, strides = array<i32>} : memref<80x64xf32, #tpu.memory_space<vmem>>, vector<16xf32>,
        %scan3A_180 = arith.constant 0 : i32
        scf.yield %scan3A_180 : i32
      }
      %scan3A_108 = arith.constant 80 : i32
      %mul3A_109 = arith.constant 80 : i32
      %mul3A_110 = arith.muli %mul3A_75, %mul3A_109 : i32
      %add3A_111 = arith.addi %sub3A_21, %mul3A_110 : i32
      %mul3A_112 = arith.constant 64 : i32
      %mul3A_113 = arith.muli %select_n3A, %mul3A_112 : i32
      %dma_start3A_114 = tpu.memref_slice %arg5[%add3A_111, %mul3A_113] : memref<160000x128xf32, #tpu.memory_space<hbm>> -> memref<80x64xf32, #tpu.memory_space<hbm>>
      %dma_start3A_115 = tpu.memref_slice %arg5[%add3A_111, %mul3A_113] : memref<160000x128xf32, #tpu.memory_space<hbm>> -> memref<80x64xf32, #tpu.memory_space<hbm>>
      tpu.enqueue_dma source(%arg8 : memref<80x64xf32, #tpu.memory_space<vmem>>) target(%dma_start3A_115 : memref<80x64xf32, #tpu.memory_space<hbm>>) target_semaphore(%arg14 : memref<!tpu.dma_semaphore, #tpu.memory_space<semaphore_mem>>)
      %add3A_116 = arith.constant 2 : i32
      %add3A_117 = arith.addi %mul3A_75, %add3A_116 : i32
      %lt3A = arith.constant 125 : i32
      %lt3A_118 = arith.cmpi slt, %add3A_117, %lt3A : i32
      %convert_element_type3A = arith.extui %lt3A_118 : i1 to i32
      %cond3A = arith.constant 0 : i32
      %cond3A_119 = arith.cmpi ne, %convert_element_type3A, %cond3A : i32
      scf.if %cond3A_119 {
        %mul3A_156 = arith.constant 80 : i32
        %mul3A_157 = arith.muli %mul3A_75, %mul3A_156 : i32
        %add3A_158 = arith.addi %sub3A_21, %mul3A_157 : i32
        %mul3A_159 = arith.constant 64 : i32
        %mul3A_160 = arith.muli %select_n3A, %mul3A_159 : i32
        %dma_wait3A_161 = tpu.memref_slice %arg5[%add3A_158, %mul3A_160] : memref<160000x128xf32, #tpu.memory_space<hbm>> -> memref<80x64xf32, #tpu.memory_space<hbm>>
        %dma_wait3A_162 = tpu.memref_slice %arg5[%add3A_158, %mul3A_160] : memref<160000x128xf32, #tpu.memory_space<hbm>> -> memref<80x64xf32, #tpu.memory_space<hbm>>
        tpu.wait_dma2 semaphore(%arg14 : memref<!tpu.dma_semaphore, #tpu.memory_space<semaphore_mem>>) src(%arg8 : memref<80x64xf32, #tpu.memory_space<vmem>>) dst(%dma_wait3A_162 : memref<80x64xf32, #tpu.memory_space<hbm>>)
        %add3A_163 = arith.constant 2 : i32
        %add3A_164 = arith.addi %mul3A_75, %add3A_163 : i32
        %mul3A_165 = arith.constant 80 : i32
        %mul3A_166 = arith.muli %add3A_164, %mul3A_165 : i32
        %dma_start3A_167 = tpu.memref_slice %arg6[%mul3A_166] : memref<10000xi32, #tpu.memory_space<vmem>> -> memref<80xi32, #tpu.memory_space<vmem>>
        %dma_start3A_168 = arith.constant 0 : i32
        %dma_start3A_169 = arith.constant 0 : i32
        %dma_start3A_170 = tpu.memref_slice %arg2[%dma_start3A_168, %dma_start3A_169] : memref<10000x64xf32, #tpu.memory_space<hbm>> -> memref<10000x64xf32, #tpu.memory_space<hbm>>
        tpu.enqueue_indirect_dma source(%dma_start3A_170 : memref<10000x64xf32, #tpu.memory_space<hbm>>) target(%arg8 : memref<80x64xf32, #tpu.memory_space<vmem>>) offsets(%dma_start3A_167 : memref<80xi32, #tpu.memory_space<vmem>>) semaphore(%arg12 : memref<!tpu.dma_semaphore, #tpu.memory_space<semaphore_mem>>)
        %mul3A_171 = arith.constant 80 : i32
        %mul3A_172 = arith.muli %add3A_164, %mul3A_171 : i32
        %dma_start3A_173 = tpu.memref_slice %arg7[%mul3A_172] : memref<10000xi32, #tpu.memory_space<vmem>> -> memref<80xi32, #tpu.memory_space<vmem>>
        %dma_start3A_174 = arith.constant 0 : i32
        %dma_start3A_175 = arith.constant 0 : i32
        %dma_start3A_176 = tpu.memref_slice %arg3[%dma_start3A_174, %dma_start3A_175] : memref<10000x64xf32, #tpu.memory_space<hbm>> -> memref<10000x64xf32, #tpu.memory_space<hbm>>
        tpu.enqueue_indirect_dma source(%dma_start3A_176 : memref<10000x64xf32, #tpu.memory_space<hbm>>) target(%arg9 : memref<80x64xf32, #tpu.memory_space<vmem>>) offsets(%dma_start3A_173 : memref<80xi32, #tpu.memory_space<vmem>>) semaphore(%arg12 : memref<!tpu.dma_semaphore, #tpu.memory_space<semaphore_mem>>)
      } else {
      }
      %add3A_120 = arith.constant 1 : i32
      %add3A_121 = arith.addi %mul3A_75, %add3A_120 : i32
      %mul3A_122 = arith.constant 80 : i32
      %mul3A_123 = arith.muli %add3A_121, %mul3A_122 : i32
      %dma_wait3A_124 = tpu.memref_slice %arg6[%mul3A_123] : memref<10000xi32, #tpu.memory_space<vmem>> -> memref<80xi32, #tpu.memory_space<vmem>>
      %dma_wait3A_125 = arith.constant 0 : i32
      %dma_wait3A_126 = arith.constant 0 : i32
      %dma_wait3A_127 = tpu.memref_slice %arg2[%dma_wait3A_125, %dma_wait3A_126] : memref<10000x64xf32, #tpu.memory_space<hbm>> -> memref<10000x64xf32, #tpu.memory_space<hbm>>
      tpu.wait_indirect_dma semaphore(%arg13 : memref<!tpu.dma_semaphore, #tpu.memory_space<semaphore_mem>>) src(%dma_wait3A_127 : memref<10000x64xf32, #tpu.memory_space<hbm>>) dst(%arg10 : memref<80x64xf32, #tpu.memory_space<vmem>>)
      %mul3A_128 = arith.constant 80 : i32
      %mul3A_129 = arith.muli %add3A_121, %mul3A_128 : i32
      %dma_wait3A_130 = tpu.memref_slice %arg7[%mul3A_129] : memref<10000xi32, #tpu.memory_space<vmem>> -> memref<80xi32, #tpu.memory_space<vmem>>
      %dma_wait3A_131 = arith.constant 0 : i32
      %dma_wait3A_132 = arith.constant 0 : i32
      %dma_wait3A_133 = tpu.memref_slice %arg3[%dma_wait3A_131, %dma_wait3A_132] : memref<10000x64xf32, #tpu.memory_space<hbm>> -> memref<10000x64xf32, #tpu.memory_space<hbm>>
      tpu.wait_indirect_dma semaphore(%arg13 : memref<!tpu.dma_semaphore, #tpu.memory_space<semaphore_mem>>) src(%dma_wait3A_133 : memref<10000x64xf32, #tpu.memory_space<hbm>>) dst(%arg11 : memref<80x64xf32, #tpu.memory_space<vmem>>)
      %scan3A_134 = arith.constant 0 : i32
      %scan3A_135 = arith.constant 0 : i32
      %scan3A_136 = arith.constant 80 : i32
      %scan3A_137 = arith.addi %scan3A_135, %scan3A_136 : i32
      %scan3A_138 = arith.constant 1 : i32
      %scan3A_139 = scf.for %scan3A_156 = %scan3A_135 to %scan3A_137 step %scan3A_138 iter_args(%scan3A_157 = %scan3A_134) -> (i32)  : i32 {
        %get3A = arith.index_cast %scan3A_156 : i32 to index
        %get3A_158 = arith.constant 0 : index
        %get3A_159 = tpu.vector_load %arg11[%get3A, %get3A_158] {strides = array<i32>} : memref<80x64xf32, #tpu.memory_space<vmem>>, vector<16xf32>,
        %swap3A = arith.index_cast %scan3A_156 : i32 to index
        %swap3A_160 = arith.constant 0 : index
        %swap3A_161 = tpu.vector_load %arg10[%swap3A, %swap3A_160] {strides = array<i32>} : memref<80x64xf32, #tpu.memory_space<vmem>>, vector<16xf32>,
        tpu.vector_store %arg10[%swap3A, %swap3A_160], %get3A_159 {add = true, strides = array<i32>} : memref<80x64xf32, #tpu.memory_space<vmem>>, vector<16xf32>,
        %get3A_162 = arith.index_cast %scan3A_156 : i32 to index
        %get3A_163 = arith.constant 16 : index
        %get3A_164 = tpu.vector_load %arg11[%get3A_162, %get3A_163] {strides = array<i32>} : memref<80x64xf32, #tpu.memory_space<vmem>>, vector<16xf32>,
        %swap3A_165 = arith.index_cast %scan3A_156 : i32 to index
        %swap3A_166 = arith.constant 16 : index
        %swap3A_167 = tpu.vector_load %arg10[%swap3A_165, %swap3A_166] {strides = array<i32>} : memref<80x64xf32, #tpu.memory_space<vmem>>, vector<16xf32>,
        tpu.vector_store %arg10[%swap3A_165, %swap3A_166], %get3A_164 {add = true, strides = array<i32>} : memref<80x64xf32, #tpu.memory_space<vmem>>, vector<16xf32>,
        %get3A_168 = arith.index_cast %scan3A_156 : i32 to index
        %get3A_169 = arith.constant 32 : index
        %get3A_170 = tpu.vector_load %arg11[%get3A_168, %get3A_169] {strides = array<i32>} : memref<80x64xf32, #tpu.memory_space<vmem>>, vector<16xf32>,
        %swap3A_171 = arith.index_cast %scan3A_156 : i32 to index
        %swap3A_172 = arith.constant 32 : index
        %swap3A_173 = tpu.vector_load %arg10[%swap3A_171, %swap3A_172] {strides = array<i32>} : memref<80x64xf32, #tpu.memory_space<vmem>>, vector<16xf32>,
        tpu.vector_store %arg10[%swap3A_171, %swap3A_172], %get3A_170 {add = true, strides = array<i32>} : memref<80x64xf32, #tpu.memory_space<vmem>>, vector<16xf32>,
        %get3A_174 = arith.index_cast %scan3A_156 : i32 to index
        %get3A_175 = arith.constant 48 : index
        %get3A_176 = tpu.vector_load %arg11[%get3A_174, %get3A_175] {strides = array<i32>} : memref<80x64xf32, #tpu.memory_space<vmem>>, vector<16xf32>,
        %swap3A_177 = arith.index_cast %scan3A_156 : i32 to index
        %swap3A_178 = arith.constant 48 : index
        %swap3A_179 = tpu.vector_load %arg10[%swap3A_177, %swap3A_178] {strides = array<i32>} : memref<80x64xf32, #tpu.memory_space<vmem>>, vector<16xf32>,
        tpu.vector_store %arg10[%swap3A_177, %swap3A_178], %get3A_176 {add = true, strides = array<i32>} : memref<80x64xf32, #tpu.memory_space<vmem>>, vector<16xf32>,
        %scan3A_180 = arith.constant 0 : i32
        scf.yield %scan3A_180 : i32
      }
      %scan3A_140 = arith.constant 80 : i32
      %mul3A_141 = arith.constant 80 : i32
      %mul3A_142 = arith.muli %add3A_121, %mul3A_141 : i32
      %add3A_143 = arith.addi %sub3A_21, %mul3A_142 : i32
      %mul3A_144 = arith.constant 64 : i32
      %mul3A_145 = arith.muli %select_n3A, %mul3A_144 : i32
      %dma_start3A_146 = tpu.memref_slice %arg5[%add3A_143, %mul3A_145] : memref<160000x128xf32, #tpu.memory_space<hbm>> -> memref<80x64xf32, #tpu.memory_space<hbm>>
      %dma_start3A_147 = tpu.memref_slice %arg5[%add3A_143, %mul3A_145] : memref<160000x128xf32, #tpu.memory_space<hbm>> -> memref<80x64xf32, #tpu.memory_space<hbm>>
      tpu.enqueue_dma source(%arg10 : memref<80x64xf32, #tpu.memory_space<vmem>>) target(%dma_start3A_147 : memref<80x64xf32, #tpu.memory_space<hbm>>) target_semaphore(%arg15 : memref<!tpu.dma_semaphore, #tpu.memory_space<semaphore_mem>>)
      %add3A_148 = arith.constant 1 : i32
      %add3A_149 = arith.addi %scan3A_72, %add3A_148 : i32
      %lt3A_150 = arith.constant 62 : i32
      %lt3A_151 = arith.cmpi slt, %add3A_149, %lt3A_150 : i32
      %convert_element_type3A_152 = arith.extui %lt3A_151 : i1 to i32
      %cond3A_153 = arith.constant 0 : i32
      %cond3A_154 = arith.cmpi ne, %convert_element_type3A_152, %cond3A_153 : i32
      scf.if %cond3A_154 {
        %add3A_156 = arith.constant 1 : i32
        %add3A_157 = arith.addi %mul3A_75, %add3A_156 : i32
        %mul3A_158 = arith.constant 80 : i32
        %mul3A_159 = arith.muli %add3A_157, %mul3A_158 : i32
        %add3A_160 = arith.addi %sub3A_21, %mul3A_159 : i32
        %mul3A_161 = arith.constant 64 : i32
        %mul3A_162 = arith.muli %select_n3A, %mul3A_161 : i32
        %dma_wait3A_163 = tpu.memref_slice %arg5[%add3A_160, %mul3A_162] : memref<160000x128xf32, #tpu.memory_space<hbm>> -> memref<80x64xf32, #tpu.memory_space<hbm>>
        %dma_wait3A_164 = tpu.memref_slice %arg5[%add3A_160, %mul3A_162] : memref<160000x128xf32, #tpu.memory_space<hbm>> -> memref<80x64xf32, #tpu.memory_space<hbm>>
        tpu.wait_dma2 semaphore(%arg15 : memref<!tpu.dma_semaphore, #tpu.memory_space<semaphore_mem>>) src(%arg10 : memref<80x64xf32, #tpu.memory_space<vmem>>) dst(%dma_wait3A_164 : memref<80x64xf32, #tpu.memory_space<hbm>>)
      } else {
      }
      %scan3A_155 = arith.constant 0 : i32
      scf.yield %scan3A_155 : i32
    }
    %scan3A_37 = arith.constant 62 : i32
    %dma_wait3A = arith.constant 9920 : i32
    %dma_wait3A_38 = tpu.memref_slice %arg6[%dma_wait3A] : memref<10000xi32, #tpu.memory_space<vmem>> -> memref<80xi32, #tpu.memory_space<vmem>>
    %dma_wait3A_39 = arith.constant 0 : i32
    %dma_wait3A_40 = arith.constant 0 : i32
    %dma_wait3A_41 = tpu.memref_slice %arg2[%dma_wait3A_39, %dma_wait3A_40] : memref<10000x64xf32, #tpu.memory_space<hbm>> -> memref<10000x64xf32, #tpu.memory_space<hbm>>
    tpu.wait_indirect_dma semaphore(%arg12 : memref<!tpu.dma_semaphore, #tpu.memory_space<semaphore_mem>>) src(%dma_wait3A_41 : memref<10000x64xf32, #tpu.memory_space<hbm>>) dst(%arg8 : memref<80x64xf32, #tpu.memory_space<vmem>>)
    %dma_wait3A_42 = arith.constant 9920 : i32
    %dma_wait3A_43 = tpu.memref_slice %arg7[%dma_wait3A_42] : memref<10000xi32, #tpu.memory_space<vmem>> -> memref<80xi32, #tpu.memory_space<vmem>>
    %dma_wait3A_44 = arith.constant 0 : i32
    %dma_wait3A_45 = arith.constant 0 : i32
    %dma_wait3A_46 = tpu.memref_slice %arg3[%dma_wait3A_44, %dma_wait3A_45] : memref<10000x64xf32, #tpu.memory_space<hbm>> -> memref<10000x64xf32, #tpu.memory_space<hbm>>
    tpu.wait_indirect_dma semaphore(%arg12 : memref<!tpu.dma_semaphore, #tpu.memory_space<semaphore_mem>>) src(%dma_wait3A_46 : memref<10000x64xf32, #tpu.memory_space<hbm>>) dst(%arg9 : memref<80x64xf32, #tpu.memory_space<vmem>>)
    %scan3A_47 = arith.constant 0 : i32
    %scan3A_48 = arith.constant 0 : i32
    %scan3A_49 = arith.constant 80 : i32
    %scan3A_50 = arith.addi %scan3A_48, %scan3A_49 : i32
    %scan3A_51 = arith.constant 1 : i32
    %scan3A_52 = scf.for %scan3A_72 = %scan3A_48 to %scan3A_50 step %scan3A_51 iter_args(%scan3A_73 = %scan3A_47) -> (i32)  : i32 {
      %get3A = arith.index_cast %scan3A_72 : i32 to index
      %get3A_74 = arith.constant 0 : index
      %get3A_75 = tpu.vector_load %arg9[%get3A, %get3A_74] {strides = array<i32>} : memref<80x64xf32, #tpu.memory_space<vmem>>, vector<16xf32>,
      %swap3A = arith.index_cast %scan3A_72 : i32 to index
      %swap3A_76 = arith.constant 0 : index
      %swap3A_77 = tpu.vector_load %arg8[%swap3A, %swap3A_76] {strides = array<i32>} : memref<80x64xf32, #tpu.memory_space<vmem>>, vector<16xf32>,
      tpu.vector_store %arg8[%swap3A, %swap3A_76], %get3A_75 {add = true, strides = array<i32>} : memref<80x64xf32, #tpu.memory_space<vmem>>, vector<16xf32>,
      %get3A_78 = arith.index_cast %scan3A_72 : i32 to index
      %get3A_79 = arith.constant 16 : index
      %get3A_80 = tpu.vector_load %arg9[%get3A_78, %get3A_79] {strides = array<i32>} : memref<80x64xf32, #tpu.memory_space<vmem>>, vector<16xf32>,
      %swap3A_81 = arith.index_cast %scan3A_72 : i32 to index
      %swap3A_82 = arith.constant 16 : index
      %swap3A_83 = tpu.vector_load %arg8[%swap3A_81, %swap3A_82] {strides = array<i32>} : memref<80x64xf32, #tpu.memory_space<vmem>>, vector<16xf32>,
      tpu.vector_store %arg8[%swap3A_81, %swap3A_82], %get3A_80 {add = true, strides = array<i32>} : memref<80x64xf32, #tpu.memory_space<vmem>>, vector<16xf32>,
      %get3A_84 = arith.index_cast %scan3A_72 : i32 to index
      %get3A_85 = arith.constant 32 : index
      %get3A_86 = tpu.vector_load %arg9[%get3A_84, %get3A_85] {strides = array<i32>} : memref<80x64xf32, #tpu.memory_space<vmem>>, vector<16xf32>,
      %swap3A_87 = arith.index_cast %scan3A_72 : i32 to index
      %swap3A_88 = arith.constant 32 : index
      %swap3A_89 = tpu.vector_load %arg8[%swap3A_87, %swap3A_88] {strides = array<i32>} : memref<80x64xf32, #tpu.memory_space<vmem>>, vector<16xf32>,
      tpu.vector_store %arg8[%swap3A_87, %swap3A_88], %get3A_86 {add = true, strides = array<i32>} : memref<80x64xf32, #tpu.memory_space<vmem>>, vector<16xf32>,
      %get3A_90 = arith.index_cast %scan3A_72 : i32 to index
      %get3A_91 = arith.constant 48 : index
      %get3A_92 = tpu.vector_load %arg9[%get3A_90, %get3A_91] {strides = array<i32>} : memref<80x64xf32, #tpu.memory_space<vmem>>, vector<16xf32>,
      %swap3A_93 = arith.index_cast %scan3A_72 : i32 to index
      %swap3A_94 = arith.constant 48 : index
      %swap3A_95 = tpu.vector_load %arg8[%swap3A_93, %swap3A_94] {strides = array<i32>} : memref<80x64xf32, #tpu.memory_space<vmem>>, vector<16xf32>,
      tpu.vector_store %arg8[%swap3A_93, %swap3A_94], %get3A_92 {add = true, strides = array<i32>} : memref<80x64xf32, #tpu.memory_space<vmem>>, vector<16xf32>,
      %scan3A_96 = arith.constant 0 : i32
      scf.yield %scan3A_96 : i32
    }
    %scan3A_53 = arith.constant 80 : i32
    %add3A_54 = arith.constant 9920 : i32
    %add3A_55 = arith.addi %sub3A_21, %add3A_54 : i32
    %mul3A_56 = arith.constant 64 : i32
    %mul3A_57 = arith.muli %select_n3A, %mul3A_56 : i32
    %dma_start3A_58 = tpu.memref_slice %arg5[%add3A_55, %mul3A_57] : memref<160000x128xf32, #tpu.memory_space<hbm>> -> memref<80x64xf32, #tpu.memory_space<hbm>>
    %dma_start3A_59 = tpu.memref_slice %arg5[%add3A_55, %mul3A_57] : memref<160000x128xf32, #tpu.memory_space<hbm>> -> memref<80x64xf32, #tpu.memory_space<hbm>>
    tpu.enqueue_dma source(%arg8 : memref<80x64xf32, #tpu.memory_space<vmem>>) target(%dma_start3A_59 : memref<80x64xf32, #tpu.memory_space<hbm>>) target_semaphore(%arg14 : memref<!tpu.dma_semaphore, #tpu.memory_space<semaphore_mem>>)
    %add3A_60 = arith.constant 9840 : i32
    %add3A_61 = arith.addi %sub3A_21, %add3A_60 : i32
    %mul3A_62 = arith.constant 64 : i32
    %mul3A_63 = arith.muli %select_n3A, %mul3A_62 : i32
    %dma_wait3A_64 = tpu.memref_slice %arg5[%add3A_61, %mul3A_63] : memref<160000x128xf32, #tpu.memory_space<hbm>> -> memref<80x64xf32, #tpu.memory_space<hbm>>
    %dma_wait3A_65 = tpu.memref_slice %arg5[%add3A_61, %mul3A_63] : memref<160000x128xf32, #tpu.memory_space<hbm>> -> memref<80x64xf32, #tpu.memory_space<hbm>>
    tpu.wait_dma2 semaphore(%arg15 : memref<!tpu.dma_semaphore, #tpu.memory_space<semaphore_mem>>) src(%arg10 : memref<80x64xf32, #tpu.memory_space<vmem>>) dst(%dma_wait3A_65 : memref<80x64xf32, #tpu.memory_space<hbm>>)
    %add3A_66 = arith.constant 9920 : i32
    %add3A_67 = arith.addi %sub3A_21, %add3A_66 : i32
    %mul3A_68 = arith.constant 64 : i32
    %mul3A_69 = arith.muli %select_n3A, %mul3A_68 : i32
    %dma_wait3A_70 = tpu.memref_slice %arg5[%add3A_67, %mul3A_69] : memref<160000x128xf32, #tpu.memory_space<hbm>> -> memref<80x64xf32, #tpu.memory_space<hbm>>
    %dma_wait3A_71 = tpu.memref_slice %arg5[%add3A_67, %mul3A_69] : memref<160000x128xf32, #tpu.memory_space<hbm>> -> memref<80x64xf32, #tpu.memory_space<hbm>>
    tpu.wait_dma2 semaphore(%arg14 : memref<!tpu.dma_semaphore, #tpu.memory_space<semaphore_mem>>) src(%arg8 : memref<80x64xf32, #tpu.memory_space<vmem>>) dst(%dma_wait3A_71 : memref<80x64xf32, #tpu.memory_space<hbm>>)
    return
  }
}

#map = affine_map<(d0, d1) -> (0, 0)>
module attributes {stable_mosaic.version = 14 : i64} {
  func.func @_segsum_body(%arg0: i32, %arg1: i32, %arg2: memref<4x160000xf32, #tpu.memory_space<hbm>>, %arg3: memref<2x320000xi32, #tpu.memory_space<hbm>>, %arg4: memref<2x10240xf32, #tpu.memory_space<hbm>>, %arg5: memref<10000xf32, #tpu.memory_space<vmem>>, %arg6: memref<10000xi32, #tpu.memory_space<vmem>>, %arg7: memref<10000xi32, #tpu.memory_space<vmem>>, %arg8: memref<10240xf32, #tpu.memory_space<vmem>>, %arg9: memref<640xf32, #tpu.memory_space<vmem>>, %arg10: memref<640xf32, #tpu.memory_space<vmem>>, %arg11: memref<16x10240xf32, #tpu.memory_space<vmem_shared>>) attributes {dimension_semantics = [#tpu.dimension_semantics<core_parallel>, #tpu.dimension_semantics<subcore_parallel>], iteration_bounds = array<i64: 2, 16>, scalar_prefetch = 0 : i64, scratch_operands = 7 : i64, tpu.core_type = #tpu.core_type<sc_vector_subcore>, window_params = [{transform_indices = #map}, {transform_indices = #map}, {transform_indices = #map}]} {
    %mul3A = arith.constant 2 : i32
    %mul3A_0 = arith.muli %arg1, %mul3A : i32
    %add3A = arith.addi %mul3A_0, %arg0 : i32
    %mul3A_1 = arith.constant 10000 : i32
    %mul3A_2 = arith.muli %add3A, %mul3A_1 : i32
    %jit3A = arith.constant 160000 : i32
    %div3A = arith.divsi %mul3A_2, %jit3A : i32
    %sign3A = arith.constant 0 : i32
    %sign3A_3 = arith.cmpi sgt, %mul3A_2, %sign3A : i32
    %sign3A_4 = arith.extui %sign3A_3 : i1 to i32
    %sign3A_5 = arith.constant 0 : i32
    %sign3A_6 = arith.cmpi slt, %mul3A_2, %sign3A_5 : i32
    %sign3A_7 = arith.extui %sign3A_6 : i1 to i32
    %sign3A_8 = arith.subi %sign3A_4, %sign3A_7 : i32
    %sign3A_9 = arith.constant 0 : i32
    %sign3A_10 = arith.cmpi sgt, %jit3A, %sign3A_9 : i32
    %sign3A_11 = arith.extui %sign3A_10 : i1 to i32
    %sign3A_12 = arith.constant 0 : i32
    %sign3A_13 = arith.cmpi slt, %jit3A, %sign3A_12 : i32
    %sign3A_14 = arith.extui %sign3A_13 : i1 to i32
    %sign3A_15 = arith.subi %sign3A_11, %sign3A_14 : i32
    %ne3A = arith.cmpi ne, %sign3A_8, %sign3A_15 : i32
    %rem3A = arith.remsi %mul3A_2, %jit3A : i32
    %ne3A_16 = arith.constant 0 : i32
    %ne3A_17 = arith.cmpi ne, %rem3A, %ne3A_16 : i32
    %and3A = arith.andi %ne3A, %ne3A_17 : i1
    %sub3A = arith.constant 1 : i32
    %sub3A_18 = arith.subi %div3A, %sub3A : i32
    %select_n3A = arith.select %and3A, %sub3A_18, %div3A : i32
    %mul3A_19 = arith.constant 160000 : i32
    %mul3A_20 = arith.muli %select_n3A, %mul3A_19 : i32
    %sub3A_21 = arith.subi %mul3A_2, %mul3A_20 : i32
    "tpu.region"() ({
      %run_scoped3A_159 = tpu.sem_alloc : memref<!tpu.dma_semaphore, #tpu.memory_space<semaphore_mem>>
      %dma_start3A = tpu.memref_slice %arg2[%select_n3A, %sub3A_21] : memref<4x160000xf32, #tpu.memory_space<hbm>> -> memref<1x10000xf32, #tpu.memory_space<hbm>>
      %dma_start3A_160 = tpu.memref_squeeze %dma_start3A : memref<1x10000xf32, #tpu.memory_space<hbm>> -> memref<10000xf32, #tpu.memory_space<hbm>>
      %dma_start3A_161 = tpu.memref_slice %arg2[%select_n3A, %sub3A_21] : memref<4x160000xf32, #tpu.memory_space<hbm>> -> memref<1x10000xf32, #tpu.memory_space<hbm>>
      %dma_start3A_162 = tpu.memref_squeeze %dma_start3A_161 : memref<1x10000xf32, #tpu.memory_space<hbm>> -> memref<10000xf32, #tpu.memory_space<hbm>>
      tpu.enqueue_dma source(%dma_start3A_162 : memref<10000xf32, #tpu.memory_space<hbm>>) target(%arg5 : memref<10000xf32, #tpu.memory_space<vmem>>) target_semaphore(%run_scoped3A_159 : memref<!tpu.dma_semaphore, #tpu.memory_space<semaphore_mem>>)
      %dma_wait3A = tpu.memref_slice %arg2[%select_n3A, %sub3A_21] : memref<4x160000xf32, #tpu.memory_space<hbm>> -> memref<1x10000xf32, #tpu.memory_space<hbm>>
      %dma_wait3A_163 = tpu.memref_squeeze %dma_wait3A : memref<1x10000xf32, #tpu.memory_space<hbm>> -> memref<10000xf32, #tpu.memory_space<hbm>>
      %dma_wait3A_164 = tpu.memref_slice %arg2[%select_n3A, %sub3A_21] : memref<4x160000xf32, #tpu.memory_space<hbm>> -> memref<1x10000xf32, #tpu.memory_space<hbm>>
      %dma_wait3A_165 = tpu.memref_squeeze %dma_wait3A_164 : memref<1x10000xf32, #tpu.memory_space<hbm>> -> memref<10000xf32, #tpu.memory_space<hbm>>
      tpu.wait_dma2 semaphore(%run_scoped3A_159 : memref<!tpu.dma_semaphore, #tpu.memory_space<semaphore_mem>>) src(%dma_wait3A_165 : memref<10000xf32, #tpu.memory_space<hbm>>) dst(%arg5 : memref<10000xf32, #tpu.memory_space<vmem>>)
      tpu.yield
    }) : () -> ()
    %run_scoped3A = arith.constant 0 : i32
    "tpu.region"() ({
      %run_scoped3A_159 = tpu.sem_alloc : memref<!tpu.dma_semaphore, #tpu.memory_space<semaphore_mem>>
      %dma_start3A = tpu.memref_slice %arg3[%run_scoped3A, %mul3A_2] : memref<2x320000xi32, #tpu.memory_space<hbm>> -> memref<1x10000xi32, #tpu.memory_space<hbm>>
      %dma_start3A_160 = tpu.memref_squeeze %dma_start3A : memref<1x10000xi32, #tpu.memory_space<hbm>> -> memref<10000xi32, #tpu.memory_space<hbm>>
      %dma_start3A_161 = tpu.memref_slice %arg3[%run_scoped3A, %mul3A_2] : memref<2x320000xi32, #tpu.memory_space<hbm>> -> memref<1x10000xi32, #tpu.memory_space<hbm>>
      %dma_start3A_162 = tpu.memref_squeeze %dma_start3A_161 : memref<1x10000xi32, #tpu.memory_space<hbm>> -> memref<10000xi32, #tpu.memory_space<hbm>>
      tpu.enqueue_dma source(%dma_start3A_162 : memref<10000xi32, #tpu.memory_space<hbm>>) target(%arg6 : memref<10000xi32, #tpu.memory_space<vmem>>) target_semaphore(%run_scoped3A_159 : memref<!tpu.dma_semaphore, #tpu.memory_space<semaphore_mem>>)
      %dma_wait3A = tpu.memref_slice %arg3[%run_scoped3A, %mul3A_2] : memref<2x320000xi32, #tpu.memory_space<hbm>> -> memref<1x10000xi32, #tpu.memory_space<hbm>>
      %dma_wait3A_163 = tpu.memref_squeeze %dma_wait3A : memref<1x10000xi32, #tpu.memory_space<hbm>> -> memref<10000xi32, #tpu.memory_space<hbm>>
      %dma_wait3A_164 = tpu.memref_slice %arg3[%run_scoped3A, %mul3A_2] : memref<2x320000xi32, #tpu.memory_space<hbm>> -> memref<1x10000xi32, #tpu.memory_space<hbm>>
      %dma_wait3A_165 = tpu.memref_squeeze %dma_wait3A_164 : memref<1x10000xi32, #tpu.memory_space<hbm>> -> memref<10000xi32, #tpu.memory_space<hbm>>
      tpu.wait_dma2 semaphore(%run_scoped3A_159 : memref<!tpu.dma_semaphore, #tpu.memory_space<semaphore_mem>>) src(%dma_wait3A_165 : memref<10000xi32, #tpu.memory_space<hbm>>) dst(%arg6 : memref<10000xi32, #tpu.memory_space<vmem>>)
      tpu.yield
    }) : () -> ()
    %run_scoped3A_22 = arith.constant 1 : i32
    "tpu.region"() ({
      %run_scoped3A_159 = tpu.sem_alloc : memref<!tpu.dma_semaphore, #tpu.memory_space<semaphore_mem>>
      %dma_start3A = tpu.memref_slice %arg3[%run_scoped3A_22, %mul3A_2] : memref<2x320000xi32, #tpu.memory_space<hbm>> -> memref<1x10000xi32, #tpu.memory_space<hbm>>
      %dma_start3A_160 = tpu.memref_squeeze %dma_start3A : memref<1x10000xi32, #tpu.memory_space<hbm>> -> memref<10000xi32, #tpu.memory_space<hbm>>
      %dma_start3A_161 = tpu.memref_slice %arg3[%run_scoped3A_22, %mul3A_2] : memref<2x320000xi32, #tpu.memory_space<hbm>> -> memref<1x10000xi32, #tpu.memory_space<hbm>>
      %dma_start3A_162 = tpu.memref_squeeze %dma_start3A_161 : memref<1x10000xi32, #tpu.memory_space<hbm>> -> memref<10000xi32, #tpu.memory_space<hbm>>
      tpu.enqueue_dma source(%dma_start3A_162 : memref<10000xi32, #tpu.memory_space<hbm>>) target(%arg7 : memref<10000xi32, #tpu.memory_space<vmem>>) target_semaphore(%run_scoped3A_159 : memref<!tpu.dma_semaphore, #tpu.memory_space<semaphore_mem>>)
      %dma_wait3A = tpu.memref_slice %arg3[%run_scoped3A_22, %mul3A_2] : memref<2x320000xi32, #tpu.memory_space<hbm>> -> memref<1x10000xi32, #tpu.memory_space<hbm>>
      %dma_wait3A_163 = tpu.memref_squeeze %dma_wait3A : memref<1x10000xi32, #tpu.memory_space<hbm>> -> memref<10000xi32, #tpu.memory_space<hbm>>
      %dma_wait3A_164 = tpu.memref_slice %arg3[%run_scoped3A_22, %mul3A_2] : memref<2x320000xi32, #tpu.memory_space<hbm>> -> memref<1x10000xi32, #tpu.memory_space<hbm>>
      %dma_wait3A_165 = tpu.memref_squeeze %dma_wait3A_164 : memref<1x10000xi32, #tpu.memory_space<hbm>> -> memref<10000xi32, #tpu.memory_space<hbm>>
      tpu.wait_dma2 semaphore(%run_scoped3A_159 : memref<!tpu.dma_semaphore, #tpu.memory_space<semaphore_mem>>) src(%dma_wait3A_165 : memref<10000xi32, #tpu.memory_space<hbm>>) dst(%arg7 : memref<10000xi32, #tpu.memory_space<vmem>>)
      tpu.yield
    }) : () -> ()
    %scan3A = arith.constant 0 : i32
    %scan3A_23 = arith.constant 0 : i32
    %scan3A_24 = arith.constant 640 : i32
    %scan3A_25 = arith.addi %scan3A_23, %scan3A_24 : i32
    %scan3A_26 = arith.constant 1 : i32
    %scan3A_27 = scf.for %scan3A_159 = %scan3A_23 to %scan3A_25 step %scan3A_26 iter_args(%scan3A_160 = %scan3A) -> (i32)  : i32 {
      %broadcast_in_dim3A = arith.constant 0.000000e+00 : f32
      %broadcast_in_dim3A_161 = vector.broadcast %broadcast_in_dim3A : f32 to vector<16xf32>
      %mul3A_162 = arith.constant 16 : i32
      %mul3A_163 = arith.muli %scan3A_159, %mul3A_162 : i32
      %swap3A = arith.index_cast %mul3A_163 : i32 to index
      %swap3A_164 = tpu.vector_load %arg8[%swap3A] {strides = array<i32>} : memref<10240xf32, #tpu.memory_space<vmem>>, vector<16xf32>,
      tpu.vector_store %arg8[%swap3A], %broadcast_in_dim3A_161 {strides = array<i32>} : memref<10240xf32, #tpu.memory_space<vmem>>, vector<16xf32>,
      %scan3A_165 = arith.constant 0 : i32
      scf.yield %scan3A_165 : i32
    }
    %scan3A_28 = arith.constant 640 : i32
    %scan3A_29 = arith.constant 0 : i32
    %scan3A_30 = arith.constant 0 : i32
    %scan3A_31 = arith.constant 625 : i32
    %scan3A_32 = arith.addi %scan3A_30, %scan3A_31 : i32
    %scan3A_33 = arith.constant 1 : i32
    %scan3A_34 = scf.for %scan3A_159 = %scan3A_30 to %scan3A_32 step %scan3A_33 iter_args(%scan3A_160 = %scan3A_29) -> (i32)  : i32 {
      %mul3A_161 = arith.constant 16 : i32
      %mul3A_162 = arith.muli %scan3A_159, %mul3A_161 : i32
      %get3A = arith.index_cast %mul3A_162 : i32 to index
      %get3A_163 = tpu.vector_load %arg5[%get3A] {strides = array<i32>} : memref<10000xf32, #tpu.memory_space<vmem>>, vector<16xf32>,
      %get3A_164 = arith.index_cast %mul3A_162 : i32 to index
      %get3A_165 = tpu.vector_load %arg6[%get3A_164] {strides = array<i32>} : memref<10000xi32, #tpu.memory_space<vmem>>, vector<16xi32>,
      tpu.vector_store_idx %arg8[%get3A_165], %get3A_163 {add = true} : memref<10240xf32, #tpu.memory_space<vmem>>[vector<16xi32>], vector<16xf32>,
      %get3A_166 = arith.index_cast %mul3A_162 : i32 to index
      %get3A_167 = tpu.vector_load %arg7[%get3A_166] {strides = array<i32>} : memref<10000xi32, #tpu.memory_space<vmem>>, vector<16xi32>,
      tpu.vector_store_idx %arg8[%get3A_167], %get3A_163 {add = true} : memref<10240xf32, #tpu.memory_space<vmem>>[vector<16xi32>], vector<16xf32>,
      %scan3A_168 = arith.constant 0 : i32
      scf.yield %scan3A_168 : i32
    }
    %scan3A_35 = arith.constant 625 : i32
    "tpu.region"() ({
      %run_scoped3A_159 = tpu.sem_alloc : memref<!tpu.dma_semaphore, #tpu.memory_space<semaphore_mem>>
      %dma_start3A = arith.constant 0 : i32
      %dma_start3A_160 = tpu.memref_slice %arg11[%arg1, %dma_start3A] : memref<16x10240xf32, #tpu.memory_space<vmem_shared>> -> memref<1x10240xf32, #tpu.memory_space<vmem_shared>>
      %dma_start3A_161 = tpu.memref_squeeze %dma_start3A_160 : memref<1x10240xf32, #tpu.memory_space<vmem_shared>> -> memref<10240xf32, #tpu.memory_space<vmem_shared>>
      %dma_start3A_162 = arith.constant 0 : i32
      %dma_start3A_163 = tpu.memref_slice %arg11[%arg1, %dma_start3A_162] : memref<16x10240xf32, #tpu.memory_space<vmem_shared>> -> memref<1x10240xf32, #tpu.memory_space<vmem_shared>>
      %dma_start3A_164 = tpu.memref_squeeze %dma_start3A_163 : memref<1x10240xf32, #tpu.memory_space<vmem_shared>> -> memref<10240xf32, #tpu.memory_space<vmem_shared>>
      tpu.enqueue_dma source(%arg8 : memref<10240xf32, #tpu.memory_space<vmem>>) target(%dma_start3A_164 : memref<10240xf32, #tpu.memory_space<vmem_shared>>) target_semaphore(%run_scoped3A_159 : memref<!tpu.dma_semaphore, #tpu.memory_space<semaphore_mem>>)
      %dma_wait3A = arith.constant 0 : i32
      %dma_wait3A_165 = tpu.memref_slice %arg11[%arg1, %dma_wait3A] : memref<16x10240xf32, #tpu.memory_space<vmem_shared>> -> memref<1x10240xf32, #tpu.memory_space<vmem_shared>>
      %dma_wait3A_166 = tpu.memref_squeeze %dma_wait3A_165 : memref<1x10240xf32, #tpu.memory_space<vmem_shared>> -> memref<10240xf32, #tpu.memory_space<vmem_shared>>
      %dma_wait3A_167 = arith.constant 0 : i32
      %dma_wait3A_168 = tpu.memref_slice %arg11[%arg1, %dma_wait3A_167] : memref<16x10240xf32, #tpu.memory_space<vmem_shared>> -> memref<1x10240xf32, #tpu.memory_space<vmem_shared>>
      %dma_wait3A_169 = tpu.memref_squeeze %dma_wait3A_168 : memref<1x10240xf32, #tpu.memory_space<vmem_shared>> -> memref<10240xf32, #tpu.memory_space<vmem_shared>>
      tpu.wait_dma2 semaphore(%run_scoped3A_159 : memref<!tpu.dma_semaphore, #tpu.memory_space<semaphore_mem>>) src(%arg8 : memref<10240xf32, #tpu.memory_space<vmem>>) dst(%dma_wait3A_169 : memref<10240xf32, #tpu.memory_space<vmem_shared>>)
      tpu.yield
    }) : () -> ()
    %barrier3A = arith.constant 0 : index
    tpu.barrier barrier_id(%barrier3A)
    %mul3A_36 = arith.constant 640 : i32
    %mul3A_37 = arith.muli %arg1, %mul3A_36 : i32
    %run_scoped3A_38 = arith.constant 0 : i32
    "tpu.region"() ({
      %run_scoped3A_159 = tpu.sem_alloc : memref<!tpu.dma_semaphore, #tpu.memory_space<semaphore_mem>>
      %dma_start3A = tpu.memref_slice %arg11[%run_scoped3A_38, %mul3A_37] : memref<16x10240xf32, #tpu.memory_space<vmem_shared>> -> memref<1x640xf32, #tpu.memory_space<vmem_shared>>
      %dma_start3A_160 = tpu.memref_squeeze %dma_start3A : memref<1x640xf32, #tpu.memory_space<vmem_shared>> -> memref<640xf32, #tpu.memory_space<vmem_shared>>
      %dma_start3A_161 = tpu.memref_slice %arg11[%run_scoped3A_38, %mul3A_37] : memref<16x10240xf32, #tpu.memory_space<vmem_shared>> -> memref<1x640xf32, #tpu.memory_space<vmem_shared>>
      %dma_start3A_162 = tpu.memref_squeeze %dma_start3A_161 : memref<1x640xf32, #tpu.memory_space<vmem_shared>> -> memref<640xf32, #tpu.memory_space<vmem_shared>>
      tpu.enqueue_dma source(%dma_start3A_162 : memref<640xf32, #tpu.memory_space<vmem_shared>>) target(%arg9 : memref<640xf32, #tpu.memory_space<vmem>>) target_semaphore(%run_scoped3A_159 : memref<!tpu.dma_semaphore, #tpu.memory_space<semaphore_mem>>)
      %dma_wait3A = tpu.memref_slice %arg11[%run_scoped3A_38, %mul3A_37] : memref<16x10240xf32, #tpu.memory_space<vmem_shared>> -> memref<1x640xf32, #tpu.memory_space<vmem_shared>>
      %dma_wait3A_163 = tpu.memref_squeeze %dma_wait3A : memref<1x640xf32, #tpu.memory_space<vmem_shared>> -> memref<640xf32, #tpu.memory_space<vmem_shared>>
      %dma_wait3A_164 = tpu.memref_slice %arg11[%run_scoped3A_38, %mul3A_37] : memref<16x10240xf32, #tpu.memory_space<vmem_shared>> -> memref<1x640xf32, #tpu.memory_space<vmem_shared>>
      %dma_wait3A_165 = tpu.memref_squeeze %dma_wait3A_164 : memref<1x640xf32, #tpu.memory_space<vmem_shared>> -> memref<640xf32, #tpu.memory_space<vmem_shared>>
      tpu.wait_dma2 semaphore(%run_scoped3A_159 : memref<!tpu.dma_semaphore, #tpu.memory_space<semaphore_mem>>) src(%dma_wait3A_165 : memref<640xf32, #tpu.memory_space<vmem_shared>>) dst(%arg9 : memref<640xf32, #tpu.memory_space<vmem>>)
      tpu.yield
    }) : () -> ()
    %run_scoped3A_39 = arith.constant 1 : i32
    "tpu.region"() ({
      %run_scoped3A_159 = tpu.sem_alloc : memref<!tpu.dma_semaphore, #tpu.memory_space<semaphore_mem>>
      %dma_start3A = tpu.memref_slice %arg11[%run_scoped3A_39, %mul3A_37] : memref<16x10240xf32, #tpu.memory_space<vmem_shared>> -> memref<1x640xf32, #tpu.memory_space<vmem_shared>>
      %dma_start3A_160 = tpu.memref_squeeze %dma_start3A : memref<1x640xf32, #tpu.memory_space<vmem_shared>> -> memref<640xf32, #tpu.memory_space<vmem_shared>>
      %dma_start3A_161 = tpu.memref_slice %arg11[%run_scoped3A_39, %mul3A_37] : memref<16x10240xf32, #tpu.memory_space<vmem_shared>> -> memref<1x640xf32, #tpu.memory_space<vmem_shared>>
      %dma_start3A_162 = tpu.memref_squeeze %dma_start3A_161 : memref<1x640xf32, #tpu.memory_space<vmem_shared>> -> memref<640xf32, #tpu.memory_space<vmem_shared>>
      tpu.enqueue_dma source(%dma_start3A_162 : memref<640xf32, #tpu.memory_space<vmem_shared>>) target(%arg10 : memref<640xf32, #tpu.memory_space<vmem>>) target_semaphore(%run_scoped3A_159 : memref<!tpu.dma_semaphore, #tpu.memory_space<semaphore_mem>>)
      %dma_wait3A = tpu.memref_slice %arg11[%run_scoped3A_39, %mul3A_37] : memref<16x10240xf32, #tpu.memory_space<vmem_shared>> -> memref<1x640xf32, #tpu.memory_space<vmem_shared>>
      %dma_wait3A_163 = tpu.memref_squeeze %dma_wait3A : memref<1x640xf32, #tpu.memory_space<vmem_shared>> -> memref<640xf32, #tpu.memory_space<vmem_shared>>
      %dma_wait3A_164 = tpu.memref_slice %arg11[%run_scoped3A_39, %mul3A_37] : memref<16x10240xf32, #tpu.memory_space<vmem_shared>> -> memref<1x640xf32, #tpu.memory_space<vmem_shared>>
      %dma_wait3A_165 = tpu.memref_squeeze %dma_wait3A_164 : memref<1x640xf32, #tpu.memory_space<vmem_shared>> -> memref<640xf32, #tpu.memory_space<vmem_shared>>
      tpu.wait_dma2 semaphore(%run_scoped3A_159 : memref<!tpu.dma_semaphore, #tpu.memory_space<semaphore_mem>>) src(%dma_wait3A_165 : memref<640xf32, #tpu.memory_space<vmem_shared>>) dst(%arg10 : memref<640xf32, #tpu.memory_space<vmem>>)
      tpu.yield
    }) : () -> ()
    %scan3A_40 = arith.constant 0 : i32
    %scan3A_41 = arith.constant 0 : i32
    %scan3A_42 = arith.constant 40 : i32
    %scan3A_43 = arith.addi %scan3A_41, %scan3A_42 : i32
    %scan3A_44 = arith.constant 1 : i32
    %scan3A_45 = scf.for %scan3A_159 = %scan3A_41 to %scan3A_43 step %scan3A_44 iter_args(%scan3A_160 = %scan3A_40) -> (i32)  : i32 {
      %mul3A_161 = arith.constant 16 : i32
      %mul3A_162 = arith.muli %scan3A_159, %mul3A_161 : i32
      %get3A = arith.index_cast %mul3A_162 : i32 to index
      %get3A_163 = tpu.vector_load %arg9[%get3A] {strides = array<i32>} : memref<640xf32, #tpu.memory_space<vmem>>, vector<16xf32>,
      %get3A_164 = arith.index_cast %mul3A_162 : i32 to index
      %get3A_165 = tpu.vector_load %arg10[%get3A_164] {strides = array<i32>} : memref<640xf32, #tpu.memory_space<vmem>>, vector<16xf32>,
      %add3A_166 = arith.addf %get3A_163, %get3A_165 : vector<16xf32>
      %swap3A = arith.index_cast %mul3A_162 : i32 to index
      %swap3A_167 = tpu.vector_load %arg9[%swap3A] {strides = array<i32>} : memref<640xf32, #tpu.memory_space<vmem>>, vector<16xf32>,
      tpu.vector_store %arg9[%swap3A], %add3A_166 {strides = array<i32>} : memref<640xf32, #tpu.memory_space<vmem>>, vector<16xf32>,
      %scan3A_168 = arith.constant 0 : i32
      scf.yield %scan3A_168 : i32
    }
    %scan3A_46 = arith.constant 40 : i32
    %run_scoped3A_47 = arith.constant 2 : i32
    "tpu.region"() ({
      %run_scoped3A_159 = tpu.sem_alloc : memref<!tpu.dma_semaphore, #tpu.memory_space<semaphore_mem>>
      %dma_start3A = tpu.memref_slice %arg11[%run_scoped3A_47, %mul3A_37] : memref<16x10240xf32, #tpu.memory_space<vmem_shared>> -> memref<1x640xf32, #tpu.memory_space<vmem_shared>>
      %dma_start3A_160 = tpu.memref_squeeze %dma_start3A : memref<1x640xf32, #tpu.memory_space<vmem_shared>> -> memref<640xf32, #tpu.memory_space<vmem_shared>>
      %dma_start3A_161 = tpu.memref_slice %arg11[%run_scoped3A_47, %mul3A_37] : memref<16x10240xf32, #tpu.memory_space<vmem_shared>> -> memref<1x640xf32, #tpu.memory_space<vmem_shared>>
      %dma_start3A_162 = tpu.memref_squeeze %dma_start3A_161 : memref<1x640xf32, #tpu.memory_space<vmem_shared>> -> memref<640xf32, #tpu.memory_space<vmem_shared>>
      tpu.enqueue_dma source(%dma_start3A_162 : memref<640xf32, #tpu.memory_space<vmem_shared>>) target(%arg10 : memref<640xf32, #tpu.memory_space<vmem>>) target_semaphore(%run_scoped3A_159 : memref<!tpu.dma_semaphore, #tpu.memory_space<semaphore_mem>>)
      %dma_wait3A = tpu.memref_slice %arg11[%run_scoped3A_47, %mul3A_37] : memref<16x10240xf32, #tpu.memory_space<vmem_shared>> -> memref<1x640xf32, #tpu.memory_space<vmem_shared>>
      %dma_wait3A_163 = tpu.memref_squeeze %dma_wait3A : memref<1x640xf32, #tpu.memory_space<vmem_shared>> -> memref<640xf32, #tpu.memory_space<vmem_shared>>
      %dma_wait3A_164 = tpu.memref_slice %arg11[%run_scoped3A_47, %mul3A_37] : memref<16x10240xf32, #tpu.memory_space<vmem_shared>> -> memref<1x640xf32, #tpu.memory_space<vmem_shared>>
      %dma_wait3A_165 = tpu.memref_squeeze %dma_wait3A_164 : memref<1x640xf32, #tpu.memory_space<vmem_shared>> -> memref<640xf32, #tpu.memory_space<vmem_shared>>
      tpu.wait_dma2 semaphore(%run_scoped3A_159 : memref<!tpu.dma_semaphore, #tpu.memory_space<semaphore_mem>>) src(%dma_wait3A_165 : memref<640xf32, #tpu.memory_space<vmem_shared>>) dst(%arg10 : memref<640xf32, #tpu.memory_space<vmem>>)
      tpu.yield
    }) : () -> ()
    %scan3A_48 = arith.constant 0 : i32
    %scan3A_49 = arith.constant 0 : i32
    %scan3A_50 = arith.constant 40 : i32
    %scan3A_51 = arith.addi %scan3A_49, %scan3A_50 : i32
    %scan3A_52 = arith.constant 1 : i32
    %scan3A_53 = scf.for %scan3A_159 = %scan3A_49 to %scan3A_51 step %scan3A_52 iter_args(%scan3A_160 = %scan3A_48) -> (i32)  : i32 {
      %mul3A_161 = arith.constant 16 : i32
      %mul3A_162 = arith.muli %scan3A_159, %mul3A_161 : i32
      %get3A = arith.index_cast %mul3A_162 : i32 to index
      %get3A_163 = tpu.vector_load %arg9[%get3A] {strides = array<i32>} : memref<640xf32, #tpu.memory_space<vmem>>, vector<16xf32>,
      %get3A_164 = arith.index_cast %mul3A_162 : i32 to index
      %get3A_165 = tpu.vector_load %arg10[%get3A_164] {strides = array<i32>} : memref<640xf32, #tpu.memory_space<vmem>>, vector<16xf32>,
      %add3A_166 = arith.addf %get3A_163, %get3A_165 : vector<16xf32>
      %swap3A = arith.index_cast %mul3A_162 : i32 to index
      %swap3A_167 = tpu.vector_load %arg9[%swap3A] {strides = array<i32>} : memref<640xf32, #tpu.memory_space<vmem>>, vector<16xf32>,
      tpu.vector_store %arg9[%swap3A], %add3A_166 {strides = array<i32>} : memref<640xf32, #tpu.memory_space<vmem>>, vector<16xf32>,
      %scan3A_168 = arith.constant 0 : i32
      scf.yield %scan3A_168 : i32
    }
    %scan3A_54 = arith.constant 40 : i32
    %run_scoped3A_55 = arith.constant 3 : i32
    "tpu.region"() ({
      %run_scoped3A_159 = tpu.sem_alloc : memref<!tpu.dma_semaphore, #tpu.memory_space<semaphore_mem>>
      %dma_start3A = tpu.memref_slice %arg11[%run_scoped3A_55, %mul3A_37] : memref<16x10240xf32, #tpu.memory_space<vmem_shared>> -> memref<1x640xf32, #tpu.memory_space<vmem_shared>>
      %dma_start3A_160 = tpu.memref_squeeze %dma_start3A : memref<1x640xf32, #tpu.memory_space<vmem_shared>> -> memref<640xf32, #tpu.memory_space<vmem_shared>>
      %dma_start3A_161 = tpu.memref_slice %arg11[%run_scoped3A_55, %mul3A_37] : memref<16x10240xf32, #tpu.memory_space<vmem_shared>> -> memref<1x640xf32, #tpu.memory_space<vmem_shared>>
      %dma_start3A_162 = tpu.memref_squeeze %dma_start3A_161 : memref<1x640xf32, #tpu.memory_space<vmem_shared>> -> memref<640xf32, #tpu.memory_space<vmem_shared>>
      tpu.enqueue_dma source(%dma_start3A_162 : memref<640xf32, #tpu.memory_space<vmem_shared>>) target(%arg10 : memref<640xf32, #tpu.memory_space<vmem>>) target_semaphore(%run_scoped3A_159 : memref<!tpu.dma_semaphore, #tpu.memory_space<semaphore_mem>>)
      %dma_wait3A = tpu.memref_slice %arg11[%run_scoped3A_55, %mul3A_37] : memref<16x10240xf32, #tpu.memory_space<vmem_shared>> -> memref<1x640xf32, #tpu.memory_space<vmem_shared>>
      %dma_wait3A_163 = tpu.memref_squeeze %dma_wait3A : memref<1x640xf32, #tpu.memory_space<vmem_shared>> -> memref<640xf32, #tpu.memory_space<vmem_shared>>
      %dma_wait3A_164 = tpu.memref_slice %arg11[%run_scoped3A_55, %mul3A_37] : memref<16x10240xf32, #tpu.memory_space<vmem_shared>> -> memref<1x640xf32, #tpu.memory_space<vmem_shared>>
      %dma_wait3A_165 = tpu.memref_squeeze %dma_wait3A_164 : memref<1x640xf32, #tpu.memory_space<vmem_shared>> -> memref<640xf32, #tpu.memory_space<vmem_shared>>
      tpu.wait_dma2 semaphore(%run_scoped3A_159 : memref<!tpu.dma_semaphore, #tpu.memory_space<semaphore_mem>>) src(%dma_wait3A_165 : memref<640xf32, #tpu.memory_space<vmem_shared>>) dst(%arg10 : memref<640xf32, #tpu.memory_space<vmem>>)
      tpu.yield
    }) : () -> ()
    %scan3A_56 = arith.constant 0 : i32
    %scan3A_57 = arith.constant 0 : i32
    %scan3A_58 = arith.constant 40 : i32
    %scan3A_59 = arith.addi %scan3A_57, %scan3A_58 : i32
    %scan3A_60 = arith.constant 1 : i32
    %scan3A_61 = scf.for %scan3A_159 = %scan3A_57 to %scan3A_59 step %scan3A_60 iter_args(%scan3A_160 = %scan3A_56) -> (i32)  : i32 {
      %mul3A_161 = arith.constant 16 : i32
      %mul3A_162 = arith.muli %scan3A_159, %mul3A_161 : i32
      %get3A = arith.index_cast %mul3A_162 : i32 to index
      %get3A_163 = tpu.vector_load %arg9[%get3A] {strides = array<i32>} : memref<640xf32, #tpu.memory_space<vmem>>, vector<16xf32>,
      %get3A_164 = arith.index_cast %mul3A_162 : i32 to index
      %get3A_165 = tpu.vector_load %arg10[%get3A_164] {strides = array<i32>} : memref<640xf32, #tpu.memory_space<vmem>>, vector<16xf32>,
      %add3A_166 = arith.addf %get3A_163, %get3A_165 : vector<16xf32>
      %swap3A = arith.index_cast %mul3A_162 : i32 to index
      %swap3A_167 = tpu.vector_load %arg9[%swap3A] {strides = array<i32>} : memref<640xf32, #tpu.memory_space<vmem>>, vector<16xf32>,
      tpu.vector_store %arg9[%swap3A], %add3A_166 {strides = array<i32>} : memref<640xf32, #tpu.memory_space<vmem>>, vector<16xf32>,
      %scan3A_168 = arith.constant 0 : i32
      scf.yield %scan3A_168 : i32
    }
    %scan3A_62 = arith.constant 40 : i32
    %run_scoped3A_63 = arith.constant 4 : i32
    "tpu.region"() ({
      %run_scoped3A_159 = tpu.sem_alloc : memref<!tpu.dma_semaphore, #tpu.memory_space<semaphore_mem>>
      %dma_start3A = tpu.memref_slice %arg11[%run_scoped3A_63, %mul3A_37] : memref<16x10240xf32, #tpu.memory_space<vmem_shared>> -> memref<1x640xf32, #tpu.memory_space<vmem_shared>>
      %dma_start3A_160 = tpu.memref_squeeze %dma_start3A : memref<1x640xf32, #tpu.memory_space<vmem_shared>> -> memref<640xf32, #tpu.memory_space<vmem_shared>>
      %dma_start3A_161 = tpu.memref_slice %arg11[%run_scoped3A_63, %mul3A_37] : memref<16x10240xf32, #tpu.memory_space<vmem_shared>> -> memref<1x640xf32, #tpu.memory_space<vmem_shared>>
      %dma_start3A_162 = tpu.memref_squeeze %dma_start3A_161 : memref<1x640xf32, #tpu.memory_space<vmem_shared>> -> memref<640xf32, #tpu.memory_space<vmem_shared>>
      tpu.enqueue_dma source(%dma_start3A_162 : memref<640xf32, #tpu.memory_space<vmem_shared>>) target(%arg10 : memref<640xf32, #tpu.memory_space<vmem>>) target_semaphore(%run_scoped3A_159 : memref<!tpu.dma_semaphore, #tpu.memory_space<semaphore_mem>>)
      %dma_wait3A = tpu.memref_slice %arg11[%run_scoped3A_63, %mul3A_37] : memref<16x10240xf32, #tpu.memory_space<vmem_shared>> -> memref<1x640xf32, #tpu.memory_space<vmem_shared>>
      %dma_wait3A_163 = tpu.memref_squeeze %dma_wait3A : memref<1x640xf32, #tpu.memory_space<vmem_shared>> -> memref<640xf32, #tpu.memory_space<vmem_shared>>
      %dma_wait3A_164 = tpu.memref_slice %arg11[%run_scoped3A_63, %mul3A_37] : memref<16x10240xf32, #tpu.memory_space<vmem_shared>> -> memref<1x640xf32, #tpu.memory_space<vmem_shared>>
      %dma_wait3A_165 = tpu.memref_squeeze %dma_wait3A_164 : memref<1x640xf32, #tpu.memory_space<vmem_shared>> -> memref<640xf32, #tpu.memory_space<vmem_shared>>
      tpu.wait_dma2 semaphore(%run_scoped3A_159 : memref<!tpu.dma_semaphore, #tpu.memory_space<semaphore_mem>>) src(%dma_wait3A_165 : memref<640xf32, #tpu.memory_space<vmem_shared>>) dst(%arg10 : memref<640xf32, #tpu.memory_space<vmem>>)
      tpu.yield
    }) : () -> ()
    %scan3A_64 = arith.constant 0 : i32
    %scan3A_65 = arith.constant 0 : i32
    %scan3A_66 = arith.constant 40 : i32
    %scan3A_67 = arith.addi %scan3A_65, %scan3A_66 : i32
    %scan3A_68 = arith.constant 1 : i32
    %scan3A_69 = scf.for %scan3A_159 = %scan3A_65 to %scan3A_67 step %scan3A_68 iter_args(%scan3A_160 = %scan3A_64) -> (i32)  : i32 {
      %mul3A_161 = arith.constant 16 : i32
      %mul3A_162 = arith.muli %scan3A_159, %mul3A_161 : i32
      %get3A = arith.index_cast %mul3A_162 : i32 to index
      %get3A_163 = tpu.vector_load %arg9[%get3A] {strides = array<i32>} : memref<640xf32, #tpu.memory_space<vmem>>, vector<16xf32>,
      %get3A_164 = arith.index_cast %mul3A_162 : i32 to index
      %get3A_165 = tpu.vector_load %arg10[%get3A_164] {strides = array<i32>} : memref<640xf32, #tpu.memory_space<vmem>>, vector<16xf32>,
      %add3A_166 = arith.addf %get3A_163, %get3A_165 : vector<16xf32>
      %swap3A = arith.index_cast %mul3A_162 : i32 to index
      %swap3A_167 = tpu.vector_load %arg9[%swap3A] {strides = array<i32>} : memref<640xf32, #tpu.memory_space<vmem>>, vector<16xf32>,
      tpu.vector_store %arg9[%swap3A], %add3A_166 {strides = array<i32>} : memref<640xf32, #tpu.memory_space<vmem>>, vector<16xf32>,
      %scan3A_168 = arith.constant 0 : i32
      scf.yield %scan3A_168 : i32
    }
    %scan3A_70 = arith.constant 40 : i32
    %run_scoped3A_71 = arith.constant 5 : i32
    "tpu.region"() ({
      %run_scoped3A_159 = tpu.sem_alloc : memref<!tpu.dma_semaphore, #tpu.memory_space<semaphore_mem>>
      %dma_start3A = tpu.memref_slice %arg11[%run_scoped3A_71, %mul3A_37] : memref<16x10240xf32, #tpu.memory_space<vmem_shared>> -> memref<1x640xf32, #tpu.memory_space<vmem_shared>>
      %dma_start3A_160 = tpu.memref_squeeze %dma_start3A : memref<1x640xf32, #tpu.memory_space<vmem_shared>> -> memref<640xf32, #tpu.memory_space<vmem_shared>>
      %dma_start3A_161 = tpu.memref_slice %arg11[%run_scoped3A_71, %mul3A_37] : memref<16x10240xf32, #tpu.memory_space<vmem_shared>> -> memref<1x640xf32, #tpu.memory_space<vmem_shared>>
      %dma_start3A_162 = tpu.memref_squeeze %dma_start3A_161 : memref<1x640xf32, #tpu.memory_space<vmem_shared>> -> memref<640xf32, #tpu.memory_space<vmem_shared>>
      tpu.enqueue_dma source(%dma_start3A_162 : memref<640xf32, #tpu.memory_space<vmem_shared>>) target(%arg10 : memref<640xf32, #tpu.memory_space<vmem>>) target_semaphore(%run_scoped3A_159 : memref<!tpu.dma_semaphore, #tpu.memory_space<semaphore_mem>>)
      %dma_wait3A = tpu.memref_slice %arg11[%run_scoped3A_71, %mul3A_37] : memref<16x10240xf32, #tpu.memory_space<vmem_shared>> -> memref<1x640xf32, #tpu.memory_space<vmem_shared>>
      %dma_wait3A_163 = tpu.memref_squeeze %dma_wait3A : memref<1x640xf32, #tpu.memory_space<vmem_shared>> -> memref<640xf32, #tpu.memory_space<vmem_shared>>
      %dma_wait3A_164 = tpu.memref_slice %arg11[%run_scoped3A_71, %mul3A_37] : memref<16x10240xf32, #tpu.memory_space<vmem_shared>> -> memref<1x640xf32, #tpu.memory_space<vmem_shared>>
      %dma_wait3A_165 = tpu.memref_squeeze %dma_wait3A_164 : memref<1x640xf32, #tpu.memory_space<vmem_shared>> -> memref<640xf32, #tpu.memory_space<vmem_shared>>
      tpu.wait_dma2 semaphore(%run_scoped3A_159 : memref<!tpu.dma_semaphore, #tpu.memory_space<semaphore_mem>>) src(%dma_wait3A_165 : memref<640xf32, #tpu.memory_space<vmem_shared>>) dst(%arg10 : memref<640xf32, #tpu.memory_space<vmem>>)
      tpu.yield
    }) : () -> ()
    %scan3A_72 = arith.constant 0 : i32
    %scan3A_73 = arith.constant 0 : i32
    %scan3A_74 = arith.constant 40 : i32
    %scan3A_75 = arith.addi %scan3A_73, %scan3A_74 : i32
    %scan3A_76 = arith.constant 1 : i32
    %scan3A_77 = scf.for %scan3A_159 = %scan3A_73 to %scan3A_75 step %scan3A_76 iter_args(%scan3A_160 = %scan3A_72) -> (i32)  : i32 {
      %mul3A_161 = arith.constant 16 : i32
      %mul3A_162 = arith.muli %scan3A_159, %mul3A_161 : i32
      %get3A = arith.index_cast %mul3A_162 : i32 to index
      %get3A_163 = tpu.vector_load %arg9[%get3A] {strides = array<i32>} : memref<640xf32, #tpu.memory_space<vmem>>, vector<16xf32>,
      %get3A_164 = arith.index_cast %mul3A_162 : i32 to index
      %get3A_165 = tpu.vector_load %arg10[%get3A_164] {strides = array<i32>} : memref<640xf32, #tpu.memory_space<vmem>>, vector<16xf32>,
      %add3A_166 = arith.addf %get3A_163, %get3A_165 : vector<16xf32>
      %swap3A = arith.index_cast %mul3A_162 : i32 to index
      %swap3A_167 = tpu.vector_load %arg9[%swap3A] {strides = array<i32>} : memref<640xf32, #tpu.memory_space<vmem>>, vector<16xf32>,
      tpu.vector_store %arg9[%swap3A], %add3A_166 {strides = array<i32>} : memref<640xf32, #tpu.memory_space<vmem>>, vector<16xf32>,
      %scan3A_168 = arith.constant 0 : i32
      scf.yield %scan3A_168 : i32
    }
    %scan3A_78 = arith.constant 40 : i32
    %run_scoped3A_79 = arith.constant 6 : i32
    "tpu.region"() ({
      %run_scoped3A_159 = tpu.sem_alloc : memref<!tpu.dma_semaphore, #tpu.memory_space<semaphore_mem>>
      %dma_start3A = tpu.memref_slice %arg11[%run_scoped3A_79, %mul3A_37] : memref<16x10240xf32, #tpu.memory_space<vmem_shared>> -> memref<1x640xf32, #tpu.memory_space<vmem_shared>>
      %dma_start3A_160 = tpu.memref_squeeze %dma_start3A : memref<1x640xf32, #tpu.memory_space<vmem_shared>> -> memref<640xf32, #tpu.memory_space<vmem_shared>>
      %dma_start3A_161 = tpu.memref_slice %arg11[%run_scoped3A_79, %mul3A_37] : memref<16x10240xf32, #tpu.memory_space<vmem_shared>> -> memref<1x640xf32, #tpu.memory_space<vmem_shared>>
      %dma_start3A_162 = tpu.memref_squeeze %dma_start3A_161 : memref<1x640xf32, #tpu.memory_space<vmem_shared>> -> memref<640xf32, #tpu.memory_space<vmem_shared>>
      tpu.enqueue_dma source(%dma_start3A_162 : memref<640xf32, #tpu.memory_space<vmem_shared>>) target(%arg10 : memref<640xf32, #tpu.memory_space<vmem>>) target_semaphore(%run_scoped3A_159 : memref<!tpu.dma_semaphore, #tpu.memory_space<semaphore_mem>>)
      %dma_wait3A = tpu.memref_slice %arg11[%run_scoped3A_79, %mul3A_37] : memref<16x10240xf32, #tpu.memory_space<vmem_shared>> -> memref<1x640xf32, #tpu.memory_space<vmem_shared>>
      %dma_wait3A_163 = tpu.memref_squeeze %dma_wait3A : memref<1x640xf32, #tpu.memory_space<vmem_shared>> -> memref<640xf32, #tpu.memory_space<vmem_shared>>
      %dma_wait3A_164 = tpu.memref_slice %arg11[%run_scoped3A_79, %mul3A_37] : memref<16x10240xf32, #tpu.memory_space<vmem_shared>> -> memref<1x640xf32, #tpu.memory_space<vmem_shared>>
      %dma_wait3A_165 = tpu.memref_squeeze %dma_wait3A_164 : memref<1x640xf32, #tpu.memory_space<vmem_shared>> -> memref<640xf32, #tpu.memory_space<vmem_shared>>
      tpu.wait_dma2 semaphore(%run_scoped3A_159 : memref<!tpu.dma_semaphore, #tpu.memory_space<semaphore_mem>>) src(%dma_wait3A_165 : memref<640xf32, #tpu.memory_space<vmem_shared>>) dst(%arg10 : memref<640xf32, #tpu.memory_space<vmem>>)
      tpu.yield
    }) : () -> ()
    %scan3A_80 = arith.constant 0 : i32
    %scan3A_81 = arith.constant 0 : i32
    %scan3A_82 = arith.constant 40 : i32
    %scan3A_83 = arith.addi %scan3A_81, %scan3A_82 : i32
    %scan3A_84 = arith.constant 1 : i32
    %scan3A_85 = scf.for %scan3A_159 = %scan3A_81 to %scan3A_83 step %scan3A_84 iter_args(%scan3A_160 = %scan3A_80) -> (i32)  : i32 {
      %mul3A_161 = arith.constant 16 : i32
      %mul3A_162 = arith.muli %scan3A_159, %mul3A_161 : i32
      %get3A = arith.index_cast %mul3A_162 : i32 to index
      %get3A_163 = tpu.vector_load %arg9[%get3A] {strides = array<i32>} : memref<640xf32, #tpu.memory_space<vmem>>, vector<16xf32>,
      %get3A_164 = arith.index_cast %mul3A_162 : i32 to index
      %get3A_165 = tpu.vector_load %arg10[%get3A_164] {strides = array<i32>} : memref<640xf32, #tpu.memory_space<vmem>>, vector<16xf32>,
      %add3A_166 = arith.addf %get3A_163, %get3A_165 : vector<16xf32>
      %swap3A = arith.index_cast %mul3A_162 : i32 to index
      %swap3A_167 = tpu.vector_load %arg9[%swap3A] {strides = array<i32>} : memref<640xf32, #tpu.memory_space<vmem>>, vector<16xf32>,
      tpu.vector_store %arg9[%swap3A], %add3A_166 {strides = array<i32>} : memref<640xf32, #tpu.memory_space<vmem>>, vector<16xf32>,
      %scan3A_168 = arith.constant 0 : i32
      scf.yield %scan3A_168 : i32
    }
    %scan3A_86 = arith.constant 40 : i32
    %run_scoped3A_87 = arith.constant 7 : i32
    "tpu.region"() ({
      %run_scoped3A_159 = tpu.sem_alloc : memref<!tpu.dma_semaphore, #tpu.memory_space<semaphore_mem>>
      %dma_start3A = tpu.memref_slice %arg11[%run_scoped3A_87, %mul3A_37] : memref<16x10240xf32, #tpu.memory_space<vmem_shared>> -> memref<1x640xf32, #tpu.memory_space<vmem_shared>>
      %dma_start3A_160 = tpu.memref_squeeze %dma_start3A : memref<1x640xf32, #tpu.memory_space<vmem_shared>> -> memref<640xf32, #tpu.memory_space<vmem_shared>>
      %dma_start3A_161 = tpu.memref_slice %arg11[%run_scoped3A_87, %mul3A_37] : memref<16x10240xf32, #tpu.memory_space<vmem_shared>> -> memref<1x640xf32, #tpu.memory_space<vmem_shared>>
      %dma_start3A_162 = tpu.memref_squeeze %dma_start3A_161 : memref<1x640xf32, #tpu.memory_space<vmem_shared>> -> memref<640xf32, #tpu.memory_space<vmem_shared>>
      tpu.enqueue_dma source(%dma_start3A_162 : memref<640xf32, #tpu.memory_space<vmem_shared>>) target(%arg10 : memref<640xf32, #tpu.memory_space<vmem>>) target_semaphore(%run_scoped3A_159 : memref<!tpu.dma_semaphore, #tpu.memory_space<semaphore_mem>>)
      %dma_wait3A = tpu.memref_slice %arg11[%run_scoped3A_87, %mul3A_37] : memref<16x10240xf32, #tpu.memory_space<vmem_shared>> -> memref<1x640xf32, #tpu.memory_space<vmem_shared>>
      %dma_wait3A_163 = tpu.memref_squeeze %dma_wait3A : memref<1x640xf32, #tpu.memory_space<vmem_shared>> -> memref<640xf32, #tpu.memory_space<vmem_shared>>
      %dma_wait3A_164 = tpu.memref_slice %arg11[%run_scoped3A_87, %mul3A_37] : memref<16x10240xf32, #tpu.memory_space<vmem_shared>> -> memref<1x640xf32, #tpu.memory_space<vmem_shared>>
      %dma_wait3A_165 = tpu.memref_squeeze %dma_wait3A_164 : memref<1x640xf32, #tpu.memory_space<vmem_shared>> -> memref<640xf32, #tpu.memory_space<vmem_shared>>
      tpu.wait_dma2 semaphore(%run_scoped3A_159 : memref<!tpu.dma_semaphore, #tpu.memory_space<semaphore_mem>>) src(%dma_wait3A_165 : memref<640xf32, #tpu.memory_space<vmem_shared>>) dst(%arg10 : memref<640xf32, #tpu.memory_space<vmem>>)
      tpu.yield
    }) : () -> ()
    %scan3A_88 = arith.constant 0 : i32
    %scan3A_89 = arith.constant 0 : i32
    %scan3A_90 = arith.constant 40 : i32
    %scan3A_91 = arith.addi %scan3A_89, %scan3A_90 : i32
    %scan3A_92 = arith.constant 1 : i32
    %scan3A_93 = scf.for %scan3A_159 = %scan3A_89 to %scan3A_91 step %scan3A_92 iter_args(%scan3A_160 = %scan3A_88) -> (i32)  : i32 {
      %mul3A_161 = arith.constant 16 : i32
      %mul3A_162 = arith.muli %scan3A_159, %mul3A_161 : i32
      %get3A = arith.index_cast %mul3A_162 : i32 to index
      %get3A_163 = tpu.vector_load %arg9[%get3A] {strides = array<i32>} : memref<640xf32, #tpu.memory_space<vmem>>, vector<16xf32>,
      %get3A_164 = arith.index_cast %mul3A_162 : i32 to index
      %get3A_165 = tpu.vector_load %arg10[%get3A_164] {strides = array<i32>} : memref<640xf32, #tpu.memory_space<vmem>>, vector<16xf32>,
      %add3A_166 = arith.addf %get3A_163, %get3A_165 : vector<16xf32>
      %swap3A = arith.index_cast %mul3A_162 : i32 to index
      %swap3A_167 = tpu.vector_load %arg9[%swap3A] {strides = array<i32>} : memref<640xf32, #tpu.memory_space<vmem>>, vector<16xf32>,
      tpu.vector_store %arg9[%swap3A], %add3A_166 {strides = array<i32>} : memref<640xf32, #tpu.memory_space<vmem>>, vector<16xf32>,
      %scan3A_168 = arith.constant 0 : i32
      scf.yield %scan3A_168 : i32
    }
    %scan3A_94 = arith.constant 40 : i32
    %run_scoped3A_95 = arith.constant 8 : i32
    "tpu.region"() ({
      %run_scoped3A_159 = tpu.sem_alloc : memref<!tpu.dma_semaphore, #tpu.memory_space<semaphore_mem>>
      %dma_start3A = tpu.memref_slice %arg11[%run_scoped3A_95, %mul3A_37] : memref<16x10240xf32, #tpu.memory_space<vmem_shared>> -> memref<1x640xf32, #tpu.memory_space<vmem_shared>>
      %dma_start3A_160 = tpu.memref_squeeze %dma_start3A : memref<1x640xf32, #tpu.memory_space<vmem_shared>> -> memref<640xf32, #tpu.memory_space<vmem_shared>>
      %dma_start3A_161 = tpu.memref_slice %arg11[%run_scoped3A_95, %mul3A_37] : memref<16x10240xf32, #tpu.memory_space<vmem_shared>> -> memref<1x640xf32, #tpu.memory_space<vmem_shared>>
      %dma_start3A_162 = tpu.memref_squeeze %dma_start3A_161 : memref<1x640xf32, #tpu.memory_space<vmem_shared>> -> memref<640xf32, #tpu.memory_space<vmem_shared>>
      tpu.enqueue_dma source(%dma_start3A_162 : memref<640xf32, #tpu.memory_space<vmem_shared>>) target(%arg10 : memref<640xf32, #tpu.memory_space<vmem>>) target_semaphore(%run_scoped3A_159 : memref<!tpu.dma_semaphore, #tpu.memory_space<semaphore_mem>>)
      %dma_wait3A = tpu.memref_slice %arg11[%run_scoped3A_95, %mul3A_37] : memref<16x10240xf32, #tpu.memory_space<vmem_shared>> -> memref<1x640xf32, #tpu.memory_space<vmem_shared>>
      %dma_wait3A_163 = tpu.memref_squeeze %dma_wait3A : memref<1x640xf32, #tpu.memory_space<vmem_shared>> -> memref<640xf32, #tpu.memory_space<vmem_shared>>
      %dma_wait3A_164 = tpu.memref_slice %arg11[%run_scoped3A_95, %mul3A_37] : memref<16x10240xf32, #tpu.memory_space<vmem_shared>> -> memref<1x640xf32, #tpu.memory_space<vmem_shared>>
      %dma_wait3A_165 = tpu.memref_squeeze %dma_wait3A_164 : memref<1x640xf32, #tpu.memory_space<vmem_shared>> -> memref<640xf32, #tpu.memory_space<vmem_shared>>
      tpu.wait_dma2 semaphore(%run_scoped3A_159 : memref<!tpu.dma_semaphore, #tpu.memory_space<semaphore_mem>>) src(%dma_wait3A_165 : memref<640xf32, #tpu.memory_space<vmem_shared>>) dst(%arg10 : memref<640xf32, #tpu.memory_space<vmem>>)
      tpu.yield
    }) : () -> ()
    %scan3A_96 = arith.constant 0 : i32
    %scan3A_97 = arith.constant 0 : i32
    %scan3A_98 = arith.constant 40 : i32
    %scan3A_99 = arith.addi %scan3A_97, %scan3A_98 : i32
    %scan3A_100 = arith.constant 1 : i32
    %scan3A_101 = scf.for %scan3A_159 = %scan3A_97 to %scan3A_99 step %scan3A_100 iter_args(%scan3A_160 = %scan3A_96) -> (i32)  : i32 {
      %mul3A_161 = arith.constant 16 : i32
      %mul3A_162 = arith.muli %scan3A_159, %mul3A_161 : i32
      %get3A = arith.index_cast %mul3A_162 : i32 to index
      %get3A_163 = tpu.vector_load %arg9[%get3A] {strides = array<i32>} : memref<640xf32, #tpu.memory_space<vmem>>, vector<16xf32>,
      %get3A_164 = arith.index_cast %mul3A_162 : i32 to index
      %get3A_165 = tpu.vector_load %arg10[%get3A_164] {strides = array<i32>} : memref<640xf32, #tpu.memory_space<vmem>>, vector<16xf32>,
      %add3A_166 = arith.addf %get3A_163, %get3A_165 : vector<16xf32>
      %swap3A = arith.index_cast %mul3A_162 : i32 to index
      %swap3A_167 = tpu.vector_load %arg9[%swap3A] {strides = array<i32>} : memref<640xf32, #tpu.memory_space<vmem>>, vector<16xf32>,
      tpu.vector_store %arg9[%swap3A], %add3A_166 {strides = array<i32>} : memref<640xf32, #tpu.memory_space<vmem>>, vector<16xf32>,
      %scan3A_168 = arith.constant 0 : i32
      scf.yield %scan3A_168 : i32
    }
    %scan3A_102 = arith.constant 40 : i32
    %run_scoped3A_103 = arith.constant 9 : i32
    "tpu.region"() ({
      %run_scoped3A_159 = tpu.sem_alloc : memref<!tpu.dma_semaphore, #tpu.memory_space<semaphore_mem>>
      %dma_start3A = tpu.memref_slice %arg11[%run_scoped3A_103, %mul3A_37] : memref<16x10240xf32, #tpu.memory_space<vmem_shared>> -> memref<1x640xf32, #tpu.memory_space<vmem_shared>>
      %dma_start3A_160 = tpu.memref_squeeze %dma_start3A : memref<1x640xf32, #tpu.memory_space<vmem_shared>> -> memref<640xf32, #tpu.memory_space<vmem_shared>>
      %dma_start3A_161 = tpu.memref_slice %arg11[%run_scoped3A_103, %mul3A_37] : memref<16x10240xf32, #tpu.memory_space<vmem_shared>> -> memref<1x640xf32, #tpu.memory_space<vmem_shared>>
      %dma_start3A_162 = tpu.memref_squeeze %dma_start3A_161 : memref<1x640xf32, #tpu.memory_space<vmem_shared>> -> memref<640xf32, #tpu.memory_space<vmem_shared>>
      tpu.enqueue_dma source(%dma_start3A_162 : memref<640xf32, #tpu.memory_space<vmem_shared>>) target(%arg10 : memref<640xf32, #tpu.memory_space<vmem>>) target_semaphore(%run_scoped3A_159 : memref<!tpu.dma_semaphore, #tpu.memory_space<semaphore_mem>>)
      %dma_wait3A = tpu.memref_slice %arg11[%run_scoped3A_103, %mul3A_37] : memref<16x10240xf32, #tpu.memory_space<vmem_shared>> -> memref<1x640xf32, #tpu.memory_space<vmem_shared>>
      %dma_wait3A_163 = tpu.memref_squeeze %dma_wait3A : memref<1x640xf32, #tpu.memory_space<vmem_shared>> -> memref<640xf32, #tpu.memory_space<vmem_shared>>
      %dma_wait3A_164 = tpu.memref_slice %arg11[%run_scoped3A_103, %mul3A_37] : memref<16x10240xf32, #tpu.memory_space<vmem_shared>> -> memref<1x640xf32, #tpu.memory_space<vmem_shared>>
      %dma_wait3A_165 = tpu.memref_squeeze %dma_wait3A_164 : memref<1x640xf32, #tpu.memory_space<vmem_shared>> -> memref<640xf32, #tpu.memory_space<vmem_shared>>
      tpu.wait_dma2 semaphore(%run_scoped3A_159 : memref<!tpu.dma_semaphore, #tpu.memory_space<semaphore_mem>>) src(%dma_wait3A_165 : memref<640xf32, #tpu.memory_space<vmem_shared>>) dst(%arg10 : memref<640xf32, #tpu.memory_space<vmem>>)
      tpu.yield
    }) : () -> ()
    %scan3A_104 = arith.constant 0 : i32
    %scan3A_105 = arith.constant 0 : i32
    %scan3A_106 = arith.constant 40 : i32
    %scan3A_107 = arith.addi %scan3A_105, %scan3A_106 : i32
    %scan3A_108 = arith.constant 1 : i32
    %scan3A_109 = scf.for %scan3A_159 = %scan3A_105 to %scan3A_107 step %scan3A_108 iter_args(%scan3A_160 = %scan3A_104) -> (i32)  : i32 {
      %mul3A_161 = arith.constant 16 : i32
      %mul3A_162 = arith.muli %scan3A_159, %mul3A_161 : i32
      %get3A = arith.index_cast %mul3A_162 : i32 to index
      %get3A_163 = tpu.vector_load %arg9[%get3A] {strides = array<i32>} : memref<640xf32, #tpu.memory_space<vmem>>, vector<16xf32>,
      %get3A_164 = arith.index_cast %mul3A_162 : i32 to index
      %get3A_165 = tpu.vector_load %arg10[%get3A_164] {strides = array<i32>} : memref<640xf32, #tpu.memory_space<vmem>>, vector<16xf32>,
      %add3A_166 = arith.addf %get3A_163, %get3A_165 : vector<16xf32>
      %swap3A = arith.index_cast %mul3A_162 : i32 to index
      %swap3A_167 = tpu.vector_load %arg9[%swap3A] {strides = array<i32>} : memref<640xf32, #tpu.memory_space<vmem>>, vector<16xf32>,
      tpu.vector_store %arg9[%swap3A], %add3A_166 {strides = array<i32>} : memref<640xf32, #tpu.memory_space<vmem>>, vector<16xf32>,
      %scan3A_168 = arith.constant 0 : i32
      scf.yield %scan3A_168 : i32
    }
    %scan3A_110 = arith.constant 40 : i32
    %run_scoped3A_111 = arith.constant 10 : i32
    "tpu.region"() ({
      %run_scoped3A_159 = tpu.sem_alloc : memref<!tpu.dma_semaphore, #tpu.memory_space<semaphore_mem>>
      %dma_start3A = tpu.memref_slice %arg11[%run_scoped3A_111, %mul3A_37] : memref<16x10240xf32, #tpu.memory_space<vmem_shared>> -> memref<1x640xf32, #tpu.memory_space<vmem_shared>>
      %dma_start3A_160 = tpu.memref_squeeze %dma_start3A : memref<1x640xf32, #tpu.memory_space<vmem_shared>> -> memref<640xf32, #tpu.memory_space<vmem_shared>>
      %dma_start3A_161 = tpu.memref_slice %arg11[%run_scoped3A_111, %mul3A_37] : memref<16x10240xf32, #tpu.memory_space<vmem_shared>> -> memref<1x640xf32, #tpu.memory_space<vmem_shared>>
      %dma_start3A_162 = tpu.memref_squeeze %dma_start3A_161 : memref<1x640xf32, #tpu.memory_space<vmem_shared>> -> memref<640xf32, #tpu.memory_space<vmem_shared>>
      tpu.enqueue_dma source(%dma_start3A_162 : memref<640xf32, #tpu.memory_space<vmem_shared>>) target(%arg10 : memref<640xf32, #tpu.memory_space<vmem>>) target_semaphore(%run_scoped3A_159 : memref<!tpu.dma_semaphore, #tpu.memory_space<semaphore_mem>>)
      %dma_wait3A = tpu.memref_slice %arg11[%run_scoped3A_111, %mul3A_37] : memref<16x10240xf32, #tpu.memory_space<vmem_shared>> -> memref<1x640xf32, #tpu.memory_space<vmem_shared>>
      %dma_wait3A_163 = tpu.memref_squeeze %dma_wait3A : memref<1x640xf32, #tpu.memory_space<vmem_shared>> -> memref<640xf32, #tpu.memory_space<vmem_shared>>
      %dma_wait3A_164 = tpu.memref_slice %arg11[%run_scoped3A_111, %mul3A_37] : memref<16x10240xf32, #tpu.memory_space<vmem_shared>> -> memref<1x640xf32, #tpu.memory_space<vmem_shared>>
      %dma_wait3A_165 = tpu.memref_squeeze %dma_wait3A_164 : memref<1x640xf32, #tpu.memory_space<vmem_shared>> -> memref<640xf32, #tpu.memory_space<vmem_shared>>
      tpu.wait_dma2 semaphore(%run_scoped3A_159 : memref<!tpu.dma_semaphore, #tpu.memory_space<semaphore_mem>>) src(%dma_wait3A_165 : memref<640xf32, #tpu.memory_space<vmem_shared>>) dst(%arg10 : memref<640xf32, #tpu.memory_space<vmem>>)
      tpu.yield
    }) : () -> ()
    %scan3A_112 = arith.constant 0 : i32
    %scan3A_113 = arith.constant 0 : i32
    %scan3A_114 = arith.constant 40 : i32
    %scan3A_115 = arith.addi %scan3A_113, %scan3A_114 : i32
    %scan3A_116 = arith.constant 1 : i32
    %scan3A_117 = scf.for %scan3A_159 = %scan3A_113 to %scan3A_115 step %scan3A_116 iter_args(%scan3A_160 = %scan3A_112) -> (i32)  : i32 {
      %mul3A_161 = arith.constant 16 : i32
      %mul3A_162 = arith.muli %scan3A_159, %mul3A_161 : i32
      %get3A = arith.index_cast %mul3A_162 : i32 to index
      %get3A_163 = tpu.vector_load %arg9[%get3A] {strides = array<i32>} : memref<640xf32, #tpu.memory_space<vmem>>, vector<16xf32>,
      %get3A_164 = arith.index_cast %mul3A_162 : i32 to index
      %get3A_165 = tpu.vector_load %arg10[%get3A_164] {strides = array<i32>} : memref<640xf32, #tpu.memory_space<vmem>>, vector<16xf32>,
      %add3A_166 = arith.addf %get3A_163, %get3A_165 : vector<16xf32>
      %swap3A = arith.index_cast %mul3A_162 : i32 to index
      %swap3A_167 = tpu.vector_load %arg9[%swap3A] {strides = array<i32>} : memref<640xf32, #tpu.memory_space<vmem>>, vector<16xf32>,
      tpu.vector_store %arg9[%swap3A], %add3A_166 {strides = array<i32>} : memref<640xf32, #tpu.memory_space<vmem>>, vector<16xf32>,
      %scan3A_168 = arith.constant 0 : i32
      scf.yield %scan3A_168 : i32
    }
    %scan3A_118 = arith.constant 40 : i32
    %run_scoped3A_119 = arith.constant 11 : i32
    "tpu.region"() ({
      %run_scoped3A_159 = tpu.sem_alloc : memref<!tpu.dma_semaphore, #tpu.memory_space<semaphore_mem>>
      %dma_start3A = tpu.memref_slice %arg11[%run_scoped3A_119, %mul3A_37] : memref<16x10240xf32, #tpu.memory_space<vmem_shared>> -> memref<1x640xf32, #tpu.memory_space<vmem_shared>>
      %dma_start3A_160 = tpu.memref_squeeze %dma_start3A : memref<1x640xf32, #tpu.memory_space<vmem_shared>> -> memref<640xf32, #tpu.memory_space<vmem_shared>>
      %dma_start3A_161 = tpu.memref_slice %arg11[%run_scoped3A_119, %mul3A_37] : memref<16x10240xf32, #tpu.memory_space<vmem_shared>> -> memref<1x640xf32, #tpu.memory_space<vmem_shared>>
      %dma_start3A_162 = tpu.memref_squeeze %dma_start3A_161 : memref<1x640xf32, #tpu.memory_space<vmem_shared>> -> memref<640xf32, #tpu.memory_space<vmem_shared>>
      tpu.enqueue_dma source(%dma_start3A_162 : memref<640xf32, #tpu.memory_space<vmem_shared>>) target(%arg10 : memref<640xf32, #tpu.memory_space<vmem>>) target_semaphore(%run_scoped3A_159 : memref<!tpu.dma_semaphore, #tpu.memory_space<semaphore_mem>>)
      %dma_wait3A = tpu.memref_slice %arg11[%run_scoped3A_119, %mul3A_37] : memref<16x10240xf32, #tpu.memory_space<vmem_shared>> -> memref<1x640xf32, #tpu.memory_space<vmem_shared>>
      %dma_wait3A_163 = tpu.memref_squeeze %dma_wait3A : memref<1x640xf32, #tpu.memory_space<vmem_shared>> -> memref<640xf32, #tpu.memory_space<vmem_shared>>
      %dma_wait3A_164 = tpu.memref_slice %arg11[%run_scoped3A_119, %mul3A_37] : memref<16x10240xf32, #tpu.memory_space<vmem_shared>> -> memref<1x640xf32, #tpu.memory_space<vmem_shared>>
      %dma_wait3A_165 = tpu.memref_squeeze %dma_wait3A_164 : memref<1x640xf32, #tpu.memory_space<vmem_shared>> -> memref<640xf32, #tpu.memory_space<vmem_shared>>
      tpu.wait_dma2 semaphore(%run_scoped3A_159 : memref<!tpu.dma_semaphore, #tpu.memory_space<semaphore_mem>>) src(%dma_wait3A_165 : memref<640xf32, #tpu.memory_space<vmem_shared>>) dst(%arg10 : memref<640xf32, #tpu.memory_space<vmem>>)
      tpu.yield
    }) : () -> ()
    %scan3A_120 = arith.constant 0 : i32
    %scan3A_121 = arith.constant 0 : i32
    %scan3A_122 = arith.constant 40 : i32
    %scan3A_123 = arith.addi %scan3A_121, %scan3A_122 : i32
    %scan3A_124 = arith.constant 1 : i32
    %scan3A_125 = scf.for %scan3A_159 = %scan3A_121 to %scan3A_123 step %scan3A_124 iter_args(%scan3A_160 = %scan3A_120) -> (i32)  : i32 {
      %mul3A_161 = arith.constant 16 : i32
      %mul3A_162 = arith.muli %scan3A_159, %mul3A_161 : i32
      %get3A = arith.index_cast %mul3A_162 : i32 to index
      %get3A_163 = tpu.vector_load %arg9[%get3A] {strides = array<i32>} : memref<640xf32, #tpu.memory_space<vmem>>, vector<16xf32>,
      %get3A_164 = arith.index_cast %mul3A_162 : i32 to index
      %get3A_165 = tpu.vector_load %arg10[%get3A_164] {strides = array<i32>} : memref<640xf32, #tpu.memory_space<vmem>>, vector<16xf32>,
      %add3A_166 = arith.addf %get3A_163, %get3A_165 : vector<16xf32>
      %swap3A = arith.index_cast %mul3A_162 : i32 to index
      %swap3A_167 = tpu.vector_load %arg9[%swap3A] {strides = array<i32>} : memref<640xf32, #tpu.memory_space<vmem>>, vector<16xf32>,
      tpu.vector_store %arg9[%swap3A], %add3A_166 {strides = array<i32>} : memref<640xf32, #tpu.memory_space<vmem>>, vector<16xf32>,
      %scan3A_168 = arith.constant 0 : i32
      scf.yield %scan3A_168 : i32
    }
    %scan3A_126 = arith.constant 40 : i32
    %run_scoped3A_127 = arith.constant 12 : i32
    "tpu.region"() ({
      %run_scoped3A_159 = tpu.sem_alloc : memref<!tpu.dma_semaphore, #tpu.memory_space<semaphore_mem>>
      %dma_start3A = tpu.memref_slice %arg11[%run_scoped3A_127, %mul3A_37] : memref<16x10240xf32, #tpu.memory_space<vmem_shared>> -> memref<1x640xf32, #tpu.memory_space<vmem_shared>>
      %dma_start3A_160 = tpu.memref_squeeze %dma_start3A : memref<1x640xf32, #tpu.memory_space<vmem_shared>> -> memref<640xf32, #tpu.memory_space<vmem_shared>>
      %dma_start3A_161 = tpu.memref_slice %arg11[%run_scoped3A_127, %mul3A_37] : memref<16x10240xf32, #tpu.memory_space<vmem_shared>> -> memref<1x640xf32, #tpu.memory_space<vmem_shared>>
      %dma_start3A_162 = tpu.memref_squeeze %dma_start3A_161 : memref<1x640xf32, #tpu.memory_space<vmem_shared>> -> memref<640xf32, #tpu.memory_space<vmem_shared>>
      tpu.enqueue_dma source(%dma_start3A_162 : memref<640xf32, #tpu.memory_space<vmem_shared>>) target(%arg10 : memref<640xf32, #tpu.memory_space<vmem>>) target_semaphore(%run_scoped3A_159 : memref<!tpu.dma_semaphore, #tpu.memory_space<semaphore_mem>>)
      %dma_wait3A = tpu.memref_slice %arg11[%run_scoped3A_127, %mul3A_37] : memref<16x10240xf32, #tpu.memory_space<vmem_shared>> -> memref<1x640xf32, #tpu.memory_space<vmem_shared>>
      %dma_wait3A_163 = tpu.memref_squeeze %dma_wait3A : memref<1x640xf32, #tpu.memory_space<vmem_shared>> -> memref<640xf32, #tpu.memory_space<vmem_shared>>
      %dma_wait3A_164 = tpu.memref_slice %arg11[%run_scoped3A_127, %mul3A_37] : memref<16x10240xf32, #tpu.memory_space<vmem_shared>> -> memref<1x640xf32, #tpu.memory_space<vmem_shared>>
      %dma_wait3A_165 = tpu.memref_squeeze %dma_wait3A_164 : memref<1x640xf32, #tpu.memory_space<vmem_shared>> -> memref<640xf32, #tpu.memory_space<vmem_shared>>
      tpu.wait_dma2 semaphore(%run_scoped3A_159 : memref<!tpu.dma_semaphore, #tpu.memory_space<semaphore_mem>>) src(%dma_wait3A_165 : memref<640xf32, #tpu.memory_space<vmem_shared>>) dst(%arg10 : memref<640xf32, #tpu.memory_space<vmem>>)
      tpu.yield
    }) : () -> ()
    %scan3A_128 = arith.constant 0 : i32
    %scan3A_129 = arith.constant 0 : i32
    %scan3A_130 = arith.constant 40 : i32
    %scan3A_131 = arith.addi %scan3A_129, %scan3A_130 : i32
    %scan3A_132 = arith.constant 1 : i32
    %scan3A_133 = scf.for %scan3A_159 = %scan3A_129 to %scan3A_131 step %scan3A_132 iter_args(%scan3A_160 = %scan3A_128) -> (i32)  : i32 {
      %mul3A_161 = arith.constant 16 : i32
      %mul3A_162 = arith.muli %scan3A_159, %mul3A_161 : i32
      %get3A = arith.index_cast %mul3A_162 : i32 to index
      %get3A_163 = tpu.vector_load %arg9[%get3A] {strides = array<i32>} : memref<640xf32, #tpu.memory_space<vmem>>, vector<16xf32>,
      %get3A_164 = arith.index_cast %mul3A_162 : i32 to index
      %get3A_165 = tpu.vector_load %arg10[%get3A_164] {strides = array<i32>} : memref<640xf32, #tpu.memory_space<vmem>>, vector<16xf32>,
      %add3A_166 = arith.addf %get3A_163, %get3A_165 : vector<16xf32>
      %swap3A = arith.index_cast %mul3A_162 : i32 to index
      %swap3A_167 = tpu.vector_load %arg9[%swap3A] {strides = array<i32>} : memref<640xf32, #tpu.memory_space<vmem>>, vector<16xf32>,
      tpu.vector_store %arg9[%swap3A], %add3A_166 {strides = array<i32>} : memref<640xf32, #tpu.memory_space<vmem>>, vector<16xf32>,
      %scan3A_168 = arith.constant 0 : i32
      scf.yield %scan3A_168 : i32
    }
    %scan3A_134 = arith.constant 40 : i32
    %run_scoped3A_135 = arith.constant 13 : i32
    "tpu.region"() ({
      %run_scoped3A_159 = tpu.sem_alloc : memref<!tpu.dma_semaphore, #tpu.memory_space<semaphore_mem>>
      %dma_start3A = tpu.memref_slice %arg11[%run_scoped3A_135, %mul3A_37] : memref<16x10240xf32, #tpu.memory_space<vmem_shared>> -> memref<1x640xf32, #tpu.memory_space<vmem_shared>>
      %dma_start3A_160 = tpu.memref_squeeze %dma_start3A : memref<1x640xf32, #tpu.memory_space<vmem_shared>> -> memref<640xf32, #tpu.memory_space<vmem_shared>>
      %dma_start3A_161 = tpu.memref_slice %arg11[%run_scoped3A_135, %mul3A_37] : memref<16x10240xf32, #tpu.memory_space<vmem_shared>> -> memref<1x640xf32, #tpu.memory_space<vmem_shared>>
      %dma_start3A_162 = tpu.memref_squeeze %dma_start3A_161 : memref<1x640xf32, #tpu.memory_space<vmem_shared>> -> memref<640xf32, #tpu.memory_space<vmem_shared>>
      tpu.enqueue_dma source(%dma_start3A_162 : memref<640xf32, #tpu.memory_space<vmem_shared>>) target(%arg10 : memref<640xf32, #tpu.memory_space<vmem>>) target_semaphore(%run_scoped3A_159 : memref<!tpu.dma_semaphore, #tpu.memory_space<semaphore_mem>>)
      %dma_wait3A = tpu.memref_slice %arg11[%run_scoped3A_135, %mul3A_37] : memref<16x10240xf32, #tpu.memory_space<vmem_shared>> -> memref<1x640xf32, #tpu.memory_space<vmem_shared>>
      %dma_wait3A_163 = tpu.memref_squeeze %dma_wait3A : memref<1x640xf32, #tpu.memory_space<vmem_shared>> -> memref<640xf32, #tpu.memory_space<vmem_shared>>
      %dma_wait3A_164 = tpu.memref_slice %arg11[%run_scoped3A_135, %mul3A_37] : memref<16x10240xf32, #tpu.memory_space<vmem_shared>> -> memref<1x640xf32, #tpu.memory_space<vmem_shared>>
      %dma_wait3A_165 = tpu.memref_squeeze %dma_wait3A_164 : memref<1x640xf32, #tpu.memory_space<vmem_shared>> -> memref<640xf32, #tpu.memory_space<vmem_shared>>
      tpu.wait_dma2 semaphore(%run_scoped3A_159 : memref<!tpu.dma_semaphore, #tpu.memory_space<semaphore_mem>>) src(%dma_wait3A_165 : memref<640xf32, #tpu.memory_space<vmem_shared>>) dst(%arg10 : memref<640xf32, #tpu.memory_space<vmem>>)
      tpu.yield
    }) : () -> ()
    %scan3A_136 = arith.constant 0 : i32
    %scan3A_137 = arith.constant 0 : i32
    %scan3A_138 = arith.constant 40 : i32
    %scan3A_139 = arith.addi %scan3A_137, %scan3A_138 : i32
    %scan3A_140 = arith.constant 1 : i32
    %scan3A_141 = scf.for %scan3A_159 = %scan3A_137 to %scan3A_139 step %scan3A_140 iter_args(%scan3A_160 = %scan3A_136) -> (i32)  : i32 {
      %mul3A_161 = arith.constant 16 : i32
      %mul3A_162 = arith.muli %scan3A_159, %mul3A_161 : i32
      %get3A = arith.index_cast %mul3A_162 : i32 to index
      %get3A_163 = tpu.vector_load %arg9[%get3A] {strides = array<i32>} : memref<640xf32, #tpu.memory_space<vmem>>, vector<16xf32>,
      %get3A_164 = arith.index_cast %mul3A_162 : i32 to index
      %get3A_165 = tpu.vector_load %arg10[%get3A_164] {strides = array<i32>} : memref<640xf32, #tpu.memory_space<vmem>>, vector<16xf32>,
      %add3A_166 = arith.addf %get3A_163, %get3A_165 : vector<16xf32>
      %swap3A = arith.index_cast %mul3A_162 : i32 to index
      %swap3A_167 = tpu.vector_load %arg9[%swap3A] {strides = array<i32>} : memref<640xf32, #tpu.memory_space<vmem>>, vector<16xf32>,
      tpu.vector_store %arg9[%swap3A], %add3A_166 {strides = array<i32>} : memref<640xf32, #tpu.memory_space<vmem>>, vector<16xf32>,
      %scan3A_168 = arith.constant 0 : i32
      scf.yield %scan3A_168 : i32
    }
    %scan3A_142 = arith.constant 40 : i32
    %run_scoped3A_143 = arith.constant 14 : i32
    "tpu.region"() ({
      %run_scoped3A_159 = tpu.sem_alloc : memref<!tpu.dma_semaphore, #tpu.memory_space<semaphore_mem>>
      %dma_start3A = tpu.memref_slice %arg11[%run_scoped3A_143, %mul3A_37] : memref<16x10240xf32, #tpu.memory_space<vmem_shared>> -> memref<1x640xf32, #tpu.memory_space<vmem_shared>>
      %dma_start3A_160 = tpu.memref_squeeze %dma_start3A : memref<1x640xf32, #tpu.memory_space<vmem_shared>> -> memref<640xf32, #tpu.memory_space<vmem_shared>>
      %dma_start3A_161 = tpu.memref_slice %arg11[%run_scoped3A_143, %mul3A_37] : memref<16x10240xf32, #tpu.memory_space<vmem_shared>> -> memref<1x640xf32, #tpu.memory_space<vmem_shared>>
      %dma_start3A_162 = tpu.memref_squeeze %dma_start3A_161 : memref<1x640xf32, #tpu.memory_space<vmem_shared>> -> memref<640xf32, #tpu.memory_space<vmem_shared>>
      tpu.enqueue_dma source(%dma_start3A_162 : memref<640xf32, #tpu.memory_space<vmem_shared>>) target(%arg10 : memref<640xf32, #tpu.memory_space<vmem>>) target_semaphore(%run_scoped3A_159 : memref<!tpu.dma_semaphore, #tpu.memory_space<semaphore_mem>>)
      %dma_wait3A = tpu.memref_slice %arg11[%run_scoped3A_143, %mul3A_37] : memref<16x10240xf32, #tpu.memory_space<vmem_shared>> -> memref<1x640xf32, #tpu.memory_space<vmem_shared>>
      %dma_wait3A_163 = tpu.memref_squeeze %dma_wait3A : memref<1x640xf32, #tpu.memory_space<vmem_shared>> -> memref<640xf32, #tpu.memory_space<vmem_shared>>
      %dma_wait3A_164 = tpu.memref_slice %arg11[%run_scoped3A_143, %mul3A_37] : memref<16x10240xf32, #tpu.memory_space<vmem_shared>> -> memref<1x640xf32, #tpu.memory_space<vmem_shared>>
      %dma_wait3A_165 = tpu.memref_squeeze %dma_wait3A_164 : memref<1x640xf32, #tpu.memory_space<vmem_shared>> -> memref<640xf32, #tpu.memory_space<vmem_shared>>
      tpu.wait_dma2 semaphore(%run_scoped3A_159 : memref<!tpu.dma_semaphore, #tpu.memory_space<semaphore_mem>>) src(%dma_wait3A_165 : memref<640xf32, #tpu.memory_space<vmem_shared>>) dst(%arg10 : memref<640xf32, #tpu.memory_space<vmem>>)
      tpu.yield
    }) : () -> ()
    %scan3A_144 = arith.constant 0 : i32
    %scan3A_145 = arith.constant 0 : i32
    %scan3A_146 = arith.constant 40 : i32
    %scan3A_147 = arith.addi %scan3A_145, %scan3A_146 : i32
    %scan3A_148 = arith.constant 1 : i32
    %scan3A_149 = scf.for %scan3A_159 = %scan3A_145 to %scan3A_147 step %scan3A_148 iter_args(%scan3A_160 = %scan3A_144) -> (i32)  : i32 {
      %mul3A_161 = arith.constant 16 : i32
      %mul3A_162 = arith.muli %scan3A_159, %mul3A_161 : i32
      %get3A = arith.index_cast %mul3A_162 : i32 to index
      %get3A_163 = tpu.vector_load %arg9[%get3A] {strides = array<i32>} : memref<640xf32, #tpu.memory_space<vmem>>, vector<16xf32>,
      %get3A_164 = arith.index_cast %mul3A_162 : i32 to index
      %get3A_165 = tpu.vector_load %arg10[%get3A_164] {strides = array<i32>} : memref<640xf32, #tpu.memory_space<vmem>>, vector<16xf32>,
      %add3A_166 = arith.addf %get3A_163, %get3A_165 : vector<16xf32>
      %swap3A = arith.index_cast %mul3A_162 : i32 to index
      %swap3A_167 = tpu.vector_load %arg9[%swap3A] {strides = array<i32>} : memref<640xf32, #tpu.memory_space<vmem>>, vector<16xf32>,
      tpu.vector_store %arg9[%swap3A], %add3A_166 {strides = array<i32>} : memref<640xf32, #tpu.memory_space<vmem>>, vector<16xf32>,
      %scan3A_168 = arith.constant 0 : i32
      scf.yield %scan3A_168 : i32
    }
    %scan3A_150 = arith.constant 40 : i32
    %run_scoped3A_151 = arith.constant 15 : i32
    "tpu.region"() ({
      %run_scoped3A_159 = tpu.sem_alloc : memref<!tpu.dma_semaphore, #tpu.memory_space<semaphore_mem>>
      %dma_start3A = tpu.memref_slice %arg11[%run_scoped3A_151, %mul3A_37] : memref<16x10240xf32, #tpu.memory_space<vmem_shared>> -> memref<1x640xf32, #tpu.memory_space<vmem_shared>>
      %dma_start3A_160 = tpu.memref_squeeze %dma_start3A : memref<1x640xf32, #tpu.memory_space<vmem_shared>> -> memref<640xf32, #tpu.memory_space<vmem_shared>>
      %dma_start3A_161 = tpu.memref_slice %arg11[%run_scoped3A_151, %mul3A_37] : memref<16x10240xf32, #tpu.memory_space<vmem_shared>> -> memref<1x640xf32, #tpu.memory_space<vmem_shared>>
      %dma_start3A_162 = tpu.memref_squeeze %dma_start3A_161 : memref<1x640xf32, #tpu.memory_space<vmem_shared>> -> memref<640xf32, #tpu.memory_space<vmem_shared>>
      tpu.enqueue_dma source(%dma_start3A_162 : memref<640xf32, #tpu.memory_space<vmem_shared>>) target(%arg10 : memref<640xf32, #tpu.memory_space<vmem>>) target_semaphore(%run_scoped3A_159 : memref<!tpu.dma_semaphore, #tpu.memory_space<semaphore_mem>>)
      %dma_wait3A = tpu.memref_slice %arg11[%run_scoped3A_151, %mul3A_37] : memref<16x10240xf32, #tpu.memory_space<vmem_shared>> -> memref<1x640xf32, #tpu.memory_space<vmem_shared>>
      %dma_wait3A_163 = tpu.memref_squeeze %dma_wait3A : memref<1x640xf32, #tpu.memory_space<vmem_shared>> -> memref<640xf32, #tpu.memory_space<vmem_shared>>
      %dma_wait3A_164 = tpu.memref_slice %arg11[%run_scoped3A_151, %mul3A_37] : memref<16x10240xf32, #tpu.memory_space<vmem_shared>> -> memref<1x640xf32, #tpu.memory_space<vmem_shared>>
      %dma_wait3A_165 = tpu.memref_squeeze %dma_wait3A_164 : memref<1x640xf32, #tpu.memory_space<vmem_shared>> -> memref<640xf32, #tpu.memory_space<vmem_shared>>
      tpu.wait_dma2 semaphore(%run_scoped3A_159 : memref<!tpu.dma_semaphore, #tpu.memory_space<semaphore_mem>>) src(%dma_wait3A_165 : memref<640xf32, #tpu.memory_space<vmem_shared>>) dst(%arg10 : memref<640xf32, #tpu.memory_space<vmem>>)
      tpu.yield
    }) : () -> ()
    %scan3A_152 = arith.constant 0 : i32
    %scan3A_153 = arith.constant 0 : i32
    %scan3A_154 = arith.constant 40 : i32
    %scan3A_155 = arith.addi %scan3A_153, %scan3A_154 : i32
    %scan3A_156 = arith.constant 1 : i32
    %scan3A_157 = scf.for %scan3A_159 = %scan3A_153 to %scan3A_155 step %scan3A_156 iter_args(%scan3A_160 = %scan3A_152) -> (i32)  : i32 {
      %mul3A_161 = arith.constant 16 : i32
      %mul3A_162 = arith.muli %scan3A_159, %mul3A_161 : i32
      %get3A = arith.index_cast %mul3A_162 : i32 to index
      %get3A_163 = tpu.vector_load %arg9[%get3A] {strides = array<i32>} : memref<640xf32, #tpu.memory_space<vmem>>, vector<16xf32>,
      %get3A_164 = arith.index_cast %mul3A_162 : i32 to index
      %get3A_165 = tpu.vector_load %arg10[%get3A_164] {strides = array<i32>} : memref<640xf32, #tpu.memory_space<vmem>>, vector<16xf32>,
      %add3A_166 = arith.addf %get3A_163, %get3A_165 : vector<16xf32>
      %swap3A = arith.index_cast %mul3A_162 : i32 to index
      %swap3A_167 = tpu.vector_load %arg9[%swap3A] {strides = array<i32>} : memref<640xf32, #tpu.memory_space<vmem>>, vector<16xf32>,
      tpu.vector_store %arg9[%swap3A], %add3A_166 {strides = array<i32>} : memref<640xf32, #tpu.memory_space<vmem>>, vector<16xf32>,
      %scan3A_168 = arith.constant 0 : i32
      scf.yield %scan3A_168 : i32
    }
    %scan3A_158 = arith.constant 40 : i32
    "tpu.region"() ({
      %run_scoped3A_159 = tpu.sem_alloc : memref<!tpu.dma_semaphore, #tpu.memory_space<semaphore_mem>>
      %dma_start3A = tpu.memref_slice %arg4[%arg0, %mul3A_37] : memref<2x10240xf32, #tpu.memory_space<hbm>> -> memref<1x640xf32, #tpu.memory_space<hbm>>
      %dma_start3A_160 = tpu.memref_squeeze %dma_start3A : memref<1x640xf32, #tpu.memory_space<hbm>> -> memref<640xf32, #tpu.memory_space<hbm>>
      %dma_start3A_161 = tpu.memref_slice %arg4[%arg0, %mul3A_37] : memref<2x10240xf32, #tpu.memory_space<hbm>> -> memref<1x640xf32, #tpu.memory_space<hbm>>
      %dma_start3A_162 = tpu.memref_squeeze %dma_start3A_161 : memref<1x640xf32, #tpu.memory_space<hbm>> -> memref<640xf32, #tpu.memory_space<hbm>>
      tpu.enqueue_dma source(%arg9 : memref<640xf32, #tpu.memory_space<vmem>>) target(%dma_start3A_162 : memref<640xf32, #tpu.memory_space<hbm>>) target_semaphore(%run_scoped3A_159 : memref<!tpu.dma_semaphore, #tpu.memory_space<semaphore_mem>>)
      %dma_wait3A = tpu.memref_slice %arg4[%arg0, %mul3A_37] : memref<2x10240xf32, #tpu.memory_space<hbm>> -> memref<1x640xf32, #tpu.memory_space<hbm>>
      %dma_wait3A_163 = tpu.memref_squeeze %dma_wait3A : memref<1x640xf32, #tpu.memory_space<hbm>> -> memref<640xf32, #tpu.memory_space<hbm>>
      %dma_wait3A_164 = tpu.memref_slice %arg4[%arg0, %mul3A_37] : memref<2x10240xf32, #tpu.memory_space<hbm>> -> memref<1x640xf32, #tpu.memory_space<hbm>>
      %dma_wait3A_165 = tpu.memref_squeeze %dma_wait3A_164 : memref<1x640xf32, #tpu.memory_space<hbm>> -> memref<640xf32, #tpu.memory_space<hbm>>
      tpu.wait_dma2 semaphore(%run_scoped3A_159 : memref<!tpu.dma_semaphore, #tpu.memory_space<semaphore_mem>>) src(%arg9 : memref<640xf32, #tpu.memory_space<vmem>>) dst(%dma_wait3A_165 : memref<640xf32, #tpu.memory_space<hbm>>)
      tpu.yield
    }) : () -> ()
    return
  }
}

module attributes {stable_mosaic.version = 14 : i64} {
  func.func @_proj_body(%arg0: i32, %arg1: memref<1000x128xf32, #tpu.memory_space<vmem>>, %arg2: memref<128x64xf32, #tpu.memory_space<vmem>>, %arg3: memref<128x64xf32, #tpu.memory_space<vmem>>, %arg4: memref<1000x64xf32, #tpu.memory_space<vmem>>, %arg5: memref<1000x64xf32, #tpu.memory_space<vmem>>) attributes {dimension_semantics = [#tpu.dimension_semantics<arbitrary>], iteration_bounds = array<i64: 10>, scalar_prefetch = 0 : i64, scratch_operands = 0 : i64, tpu.core_type = #tpu.core_type<tc>, window_params = [{transform_indices = @transform_0, window_bounds = array<i64: 1000, 128>}, {pipeline_mode = #tpu.pipeline_mode<synchronous>, transform_indices = @transform_1, window_bounds = array<i64: 128, 64>}, {pipeline_mode = #tpu.pipeline_mode<synchronous>, transform_indices = @transform_2, window_bounds = array<i64: 128, 64>}, {transform_indices = @transform_3, window_bounds = array<i64: 1000, 64>}, {transform_indices = @transform_4, window_bounds = array<i64: 1000, 64>}]} {
    %get3A = arith.constant 0 : index
    %get3A_0 = arith.constant 0 : index
    %get3A_1 = vector.load %arg1[%get3A, %get3A_0] : memref<1000x128xf32, #tpu.memory_space<vmem>>, vector<1000x128xf32>
    %get3A_2 = arith.constant 0 : index
    %get3A_3 = arith.constant 0 : index
    %get3A_4 = vector.load %arg2[%get3A_2, %get3A_3] : memref<128x64xf32, #tpu.memory_space<vmem>>, vector<128x64xf32>
    %dot_general3A = arith.constant dense<0.000000e+00> : vector<1000x64xf32>
    %dot_general3A_5 = tpu.matmul %get3A_1, %get3A_4, %dot_general3A {dimension_numbers = #tpu.dot_dimension_numbers<[1], [0], [0], [1], [0, 0, 1, 1], [], []>, transpose_lhs_hint = false} : vector<1000x128xf32>, vector<128x64xf32>, vector<1000x64xf32> -> vector<1000x64xf32>
    %swap3A = arith.constant 0 : index
    %swap3A_6 = arith.constant 0 : index
    %swap3A_7 = vector.load %arg4[%swap3A, %swap3A_6] : memref<1000x64xf32, #tpu.memory_space<vmem>>, vector<1000x64xf32>
    tpu.vector_store %arg4[%swap3A, %swap3A_6], %dot_general3A_5 {strides = array<i32>} : memref<1000x64xf32, #tpu.memory_space<vmem>>, vector<1000x64xf32>,
    %get3A_8 = arith.constant 0 : index
    %get3A_9 = arith.constant 0 : index
    %get3A_10 = vector.load %arg3[%get3A_8, %get3A_9] : memref<128x64xf32, #tpu.memory_space<vmem>>, vector<128x64xf32>
    %dot_general3A_11 = arith.constant dense<0.000000e+00> : vector<1000x64xf32>
    %dot_general3A_12 = tpu.matmul %get3A_1, %get3A_10, %dot_general3A_11 {dimension_numbers = #tpu.dot_dimension_numbers<[1], [0], [0], [1], [0, 0, 1, 1], [], []>, transpose_lhs_hint = false} : vector<1000x128xf32>, vector<128x64xf32>, vector<1000x64xf32> -> vector<1000x64xf32>
    %swap3A_13 = arith.constant 0 : index
    %swap3A_14 = arith.constant 0 : index
    %swap3A_15 = vector.load %arg5[%swap3A_13, %swap3A_14] : memref<1000x64xf32, #tpu.memory_space<vmem>>, vector<1000x64xf32>
    tpu.vector_store %arg5[%swap3A_13, %swap3A_14], %dot_general3A_12 {strides = array<i32>} : memref<1000x64xf32, #tpu.memory_space<vmem>>, vector<1000x64xf32>,
    return
  }
  func.func @transform_0(%arg0: i32) -> (i32, i32) {
    %c0_i32 = arith.constant 0 : i32
    %c0_i32_0 = arith.constant 0 : i32
    return %arg0, %c0_i32 : i32, i32
  }
  func.func @transform_1(%arg0: i32) -> (i32, i32) {
    %c0_i32 = arith.constant 0 : i32
    %c0_i32_0 = arith.constant 0 : i32
    %c0_i32_1 = arith.constant 0 : i32
    return %c0_i32, %c0_i32_0 : i32, i32
  }
  func.func @transform_2(%arg0: i32) -> (i32, i32) {
    %c0_i32 = arith.constant 0 : i32
    %c0_i32_0 = arith.constant 0 : i32
    %c0_i32_1 = arith.constant 0 : i32
    return %c0_i32, %c0_i32_0 : i32, i32
  }
  func.func @transform_3(%arg0: i32) -> (i32, i32) {
    %c0_i32 = arith.constant 0 : i32
    %c0_i32_0 = arith.constant 0 : i32
    return %arg0, %c0_i32 : i32, i32
  }
  func.func @transform_4(%arg0: i32) -> (i32, i32) {
    %c0_i32 = arith.constant 0 : i32
    %c0_i32_0 = arith.constant 0 : i32
    return %arg0, %c0_i32 : i32, i32
  }
}

module attributes {stable_mosaic.version = 14 : i64} {
  func.func @_tail_body(%arg0: i32, %arg1: memref<3200x128xf32, #tpu.memory_space<vmem>>, %arg2: memref<1x64xf32, #tpu.memory_space<vmem>>, %arg3: memref<64x32xf32, #tpu.memory_space<vmem>>, %arg4: memref<1x32xf32, #tpu.memory_space<vmem>>, %arg5: memref<32x1xf32, #tpu.memory_space<vmem>>, %arg6: memref<1x1xf32, #tpu.memory_space<vmem>>, %arg7: memref<4x3200xf32, #tpu.memory_space<vmem>>, %arg8: memref<1x1xf32, #tpu.memory_space<vmem>>, %arg9: memref<1x1xf32, #tpu.memory_space<vmem>>) attributes {dimension_semantics = [#tpu.dimension_semantics<arbitrary>], iteration_bounds = array<i64: 50>, scalar_prefetch = 0 : i64, scratch_operands = 0 : i64, tpu.core_type = #tpu.core_type<tc>, window_params = [{transform_indices = @transform_0, window_bounds = array<i64: 3200, 128>}, {pipeline_mode = #tpu.pipeline_mode<synchronous>, transform_indices = @transform_1, window_bounds = array<i64: 1, 64>}, {pipeline_mode = #tpu.pipeline_mode<synchronous>, transform_indices = @transform_2, window_bounds = array<i64: 64, 32>}, {pipeline_mode = #tpu.pipeline_mode<synchronous>, transform_indices = @transform_3, window_bounds = array<i64: 1, 32>}, {pipeline_mode = #tpu.pipeline_mode<synchronous>, transform_indices = @transform_4, window_bounds = array<i64: 32, 1>}, {pipeline_mode = #tpu.pipeline_mode<synchronous>, transform_indices = @transform_5, window_bounds = array<i64: 1, 1>}, {transform_indices = @transform_6, window_bounds = array<i64: 4, 3200>}, {pipeline_mode = #tpu.pipeline_mode<synchronous>, transform_indices = @transform_7, window_bounds = array<i64: 1, 1>}, {pipeline_mode = #tpu.pipeline_mode<synchronous>, transform_indices = @transform_8, window_bounds = array<i64: 1, 1>}]} {
    %get3A = arith.constant 0 : index
    %get3A_0 = arith.constant 0 : index
    %get3A_1 = vector.load %arg1[%get3A, %get3A_0] : memref<3200x128xf32, #tpu.memory_space<vmem>>, vector<3200x128xf32>
    %get3A_2 = arith.constant 0 : index
    %get3A_3 = arith.constant 0 : index
    %get3A_4 = vector.load %arg2[%get3A_2, %get3A_3] : memref<1x64xf32, #tpu.memory_space<vmem>>, vector<1x64xf32>
    %get3A_5 = arith.constant 0 : index
    %get3A_6 = arith.constant 0 : index
    %get3A_7 = vector.load %arg4[%get3A_5, %get3A_6] : memref<1x32xf32, #tpu.memory_space<vmem>>, vector<1x32xf32>
    %get3A_8 = arith.constant 0 : index
    %get3A_9 = arith.constant 0 : index
    %get3A_10 = vector.load %arg3[%get3A_8, %get3A_9] : memref<64x32xf32, #tpu.memory_space<vmem>>, vector<64x32xf32>
    %get3A_11 = arith.constant 0 : index
    %get3A_12 = arith.constant 0 : index
    %get3A_13 = vector.load %arg5[%get3A_11, %get3A_12] : memref<32x1xf32, #tpu.memory_space<vmem>>, vector<32x1xf32>
    %get3A_14 = arith.constant 0 : index
    %get3A_15 = arith.constant 0 : index
    %get3A_16 = vector.load %arg6[%get3A_14, %get3A_15] : memref<1x1xf32, #tpu.memory_space<vmem>>, vector<1x1xf32>
    %get3A_17 = vector.extract %get3A_16[0, 0] : f32 from vector<1x1xf32>
    %slice3A = vector.extract_strided_slice %get3A_1 {offsets = [0, 0], sizes = [3200, 64], strides = [1, 1]} : vector<3200x128xf32> to vector<3200x64xf32>
    %add3A = vector.broadcast %get3A_4 : vector<1x64xf32> to vector<3200x64xf32>
    %add3A_18 = arith.addf %slice3A, %add3A : vector<3200x64xf32>
    %max3A = arith.constant 0.000000e+00 : f32
    %max3A_19 = vector.broadcast %max3A : f32 to vector<3200x64xf32>
    %max3A_20 = arith.maximumf %add3A_18, %max3A_19 : vector<3200x64xf32>
    %slice3A_21 = vector.extract_strided_slice %get3A_1 {offsets = [0, 64], sizes = [3200, 64], strides = [1, 1]} : vector<3200x128xf32> to vector<3200x64xf32>
    %add3A_22 = vector.broadcast %get3A_4 : vector<1x64xf32> to vector<3200x64xf32>
    %add3A_23 = arith.addf %slice3A_21, %add3A_22 : vector<3200x64xf32>
    %max3A_24 = arith.constant 0.000000e+00 : f32
    %max3A_25 = vector.broadcast %max3A_24 : f32 to vector<3200x64xf32>
    %max3A_26 = arith.maximumf %add3A_23, %max3A_25 : vector<3200x64xf32>
    %dot_general3A = arith.constant dense<0.000000e+00> : vector<3200x32xf32>
    %dot_general3A_27 = tpu.matmul %max3A_20, %get3A_10, %dot_general3A {dimension_numbers = #tpu.dot_dimension_numbers<[1], [0], [0], [1], [0, 0, 1, 1], [], []>, transpose_lhs_hint = false} : vector<3200x64xf32>, vector<64x32xf32>, vector<3200x32xf32> -> vector<3200x32xf32>
    %add3A_28 = vector.broadcast %get3A_7 : vector<1x32xf32> to vector<3200x32xf32>
    %add3A_29 = arith.addf %dot_general3A_27, %add3A_28 : vector<3200x32xf32>
    %max3A_30 = arith.constant 0.000000e+00 : f32
    %max3A_31 = vector.broadcast %max3A_30 : f32 to vector<3200x32xf32>
    %max3A_32 = arith.maximumf %add3A_29, %max3A_31 : vector<3200x32xf32>
    %dot_general3A_33 = arith.constant dense<0.000000e+00> : vector<3200x32xf32>
    %dot_general3A_34 = tpu.matmul %max3A_26, %get3A_10, %dot_general3A_33 {dimension_numbers = #tpu.dot_dimension_numbers<[1], [0], [0], [1], [0, 0, 1, 1], [], []>, transpose_lhs_hint = false} : vector<3200x64xf32>, vector<64x32xf32>, vector<3200x32xf32> -> vector<3200x32xf32>
    %add3A_35 = vector.broadcast %get3A_7 : vector<1x32xf32> to vector<3200x32xf32>
    %add3A_36 = arith.addf %dot_general3A_34, %add3A_35 : vector<3200x32xf32>
    %max3A_37 = arith.constant 0.000000e+00 : f32
    %max3A_38 = vector.broadcast %max3A_37 : f32 to vector<3200x32xf32>
    %max3A_39 = arith.maximumf %add3A_36, %max3A_38 : vector<3200x32xf32>
    %dot_general3A_40 = arith.constant dense<0.000000e+00> : vector<3200x1xf32>
    %dot_general3A_41 = tpu.matmul %max3A_32, %get3A_13, %dot_general3A_40 {dimension_numbers = #tpu.dot_dimension_numbers<[1], [0], [0], [1], [0, 0, 1, 1], [], []>, transpose_lhs_hint = false} : vector<3200x32xf32>, vector<32x1xf32>, vector<3200x1xf32> -> vector<3200x1xf32>
    %dot_general3A_42 = arith.constant dense<0.000000e+00> : vector<3200x1xf32>
    %dot_general3A_43 = tpu.matmul %max3A_39, %get3A_13, %dot_general3A_42 {dimension_numbers = #tpu.dot_dimension_numbers<[1], [0], [0], [1], [0, 0, 1, 1], [], []>, transpose_lhs_hint = false} : vector<3200x32xf32>, vector<32x1xf32>, vector<3200x1xf32> -> vector<3200x1xf32>
    %transpose3A = tpu.transpose %dot_general3A_41, [1, 0] : vector<3200x1xf32> -> vector<1x3200xf32>
    %transpose3A_44 = tpu.transpose %dot_general3A_43, [1, 0] : vector<3200x1xf32> -> vector<1x3200xf32>
    %concatenate3A = tpu.concatenate %transpose3A, %transpose3A_44 in 0 : vector<1x3200xf32>, vector<1x3200xf32> -> vector<2x3200xf32>
    %add3A_45 = vector.broadcast %get3A_17 : f32 to vector<2x3200xf32>
    %add3A_46 = arith.addf %concatenate3A, %add3A_45 : vector<2x3200xf32>
    %neg3A = arith.constant 0.000000e+00 : f32
    %neg3A_47 = vector.broadcast %neg3A : f32 to vector<2x3200xf32>
    %neg3A_48 = arith.subf %neg3A_47, %add3A_46 : vector<2x3200xf32>
    %exp3A = math.exp %neg3A_48 : vector<2x3200xf32>
    %add3A_49 = arith.constant 1.000000e+00 : f32
    %add3A_50 = vector.broadcast %add3A_49 : f32 to vector<2x3200xf32>
    %add3A_51 = arith.addf %add3A_50, %exp3A : vector<2x3200xf32>
    %div3A = arith.constant 1.000000e+00 : f32
    %div3A_52 = vector.broadcast %div3A : f32 to vector<2x3200xf32>
    %div3A_53 = arith.divf %div3A_52, %add3A_51 : vector<2x3200xf32>
    %lt3A = arith.constant 0.699999988 : f32
    %lt3A_54 = vector.broadcast %lt3A : f32 to vector<2x3200xf32>
    %lt3A_55 = arith.cmpf olt, %div3A_53, %lt3A_54 : vector<2x3200xf32>
    %sub3A = arith.constant 1.000000e+00 : f32
    %sub3A_56 = vector.broadcast %sub3A : f32 to vector<2x3200xf32>
    %sub3A_57 = arith.subf %sub3A_56, %div3A_53 : vector<2x3200xf32>
    %mul3A = arith.constant 5.000000e-02 : f32
    %mul3A_58 = vector.broadcast %mul3A : f32 to vector<2x3200xf32>
    %mul3A_59 = arith.mulf %mul3A_58, %sub3A_57 : vector<2x3200xf32>
    %jit3A = arith.constant 0.000000e+00 : f32
    %broadcast_in_dim3A = vector.broadcast %jit3A : f32 to vector<2x3200xf32>
    %select_n3A = arith.select %lt3A_55, %mul3A_59, %broadcast_in_dim3A : vector<2x3200xi1>, vector<2x3200xf32>
    %concatenate3A_60 = tpu.concatenate %select_n3A, %div3A_53 in 0 : vector<2x3200xf32>, vector<2x3200xf32> -> vector<4x3200xf32>
    %swap3A = arith.constant 0 : index
    %swap3A_61 = arith.constant 0 : index
    %swap3A_62 = vector.load %arg7[%swap3A, %swap3A_61] : memref<4x3200xf32, #tpu.memory_space<vmem>>, vector<4x3200xf32>
    tpu.vector_store %arg7[%swap3A, %swap3A_61], %concatenate3A_60 {strides = array<i32>} : memref<4x3200xf32, #tpu.memory_space<vmem>>, vector<4x3200xf32>,
    %eq3A = arith.constant 0 : i32
    %eq3A_63 = arith.cmpi eq, %arg0, %eq3A : i32
    %convert_element_type3A = arith.extui %eq3A_63 : i1 to i32
    %cond3A = arith.constant 0 : i32
    %cond3A_64 = arith.cmpi ne, %convert_element_type3A, %cond3A : i32
    scf.if %cond3A_64 {
      %broadcast_in_dim3A_91 = arith.constant 0.000000e+00 : f32
      %broadcast_in_dim3A_92 = vector.broadcast %broadcast_in_dim3A_91 : f32 to vector<1x1xf32>
      %swap3A_93 = arith.constant 0 : index
      %swap3A_94 = arith.constant 0 : index
      %swap3A_95 = vector.load %arg8[%swap3A_93, %swap3A_94] : memref<1x1xf32, #tpu.memory_space<vmem>>, vector<1x1xf32>
      tpu.vector_store %arg8[%swap3A_93, %swap3A_94], %broadcast_in_dim3A_92 {strides = array<i32>} : memref<1x1xf32, #tpu.memory_space<vmem>>, vector<1x1xf32>,
      %broadcast_in_dim3A_96 = arith.constant 0.000000e+00 : f32
      %broadcast_in_dim3A_97 = vector.broadcast %broadcast_in_dim3A_96 : f32 to vector<1x1xf32>
      %swap3A_98 = arith.constant 0 : index
      %swap3A_99 = arith.constant 0 : index
      %swap3A_100 = vector.load %arg9[%swap3A_98, %swap3A_99] : memref<1x1xf32, #tpu.memory_space<vmem>>, vector<1x1xf32>
      tpu.vector_store %arg9[%swap3A_98, %swap3A_99], %broadcast_in_dim3A_97 {strides = array<i32>} : memref<1x1xf32, #tpu.memory_space<vmem>>, vector<1x1xf32>,
    } else {
    }
    %get3A_65 = arith.constant 0 : index
    %get3A_66 = arith.constant 0 : index
    %get3A_67 = vector.load %arg8[%get3A_65, %get3A_66] : memref<1x1xf32, #tpu.memory_space<vmem>>, vector<1x1xf32>
    %reduce_sum3A = vector.shape_cast %div3A_53 : vector<2x3200xf32> to vector<1x2x3200xf32>
    %reduce_sum3A_68 = arith.constant dense<0.000000e+00> : vector<1xf32>
    %reduce_sum3A_69 = vector.multi_reduction <add>, %reduce_sum3A, %reduce_sum3A_68 [1, 2] : vector<1x2x3200xf32> to vector<1xf32>
    %reduce_sum3A_70 = vector.shape_cast %reduce_sum3A_69 : vector<1xf32> to vector<1x1x1xf32>
    %reduce_sum3A_71 = vector.extract %reduce_sum3A_70[0, 0, 0] : f32 from vector<1x1x1xf32>
    %reshape3A = vector.broadcast %reduce_sum3A_71 : f32 to vector<1x1xf32>
    %add3A_72 = arith.addf %get3A_67, %reshape3A : vector<1x1xf32>
    %swap3A_73 = arith.constant 0 : index
    %swap3A_74 = arith.constant 0 : index
    %swap3A_75 = vector.load %arg8[%swap3A_73, %swap3A_74] : memref<1x1xf32, #tpu.memory_space<vmem>>, vector<1x1xf32>
    tpu.vector_store %arg8[%swap3A_73, %swap3A_74], %add3A_72 {strides = array<i32>} : memref<1x1xf32, #tpu.memory_space<vmem>>, vector<1x1xf32>,
    %get3A_76 = arith.constant 0 : index
    %get3A_77 = arith.constant 0 : index
    %get3A_78 = vector.load %arg9[%get3A_76, %get3A_77] : memref<1x1xf32, #tpu.memory_space<vmem>>, vector<1x1xf32>
    %convert_element_type3A_79 = arith.extui %lt3A_55 : vector<2x3200xi1> to vector<2x3200xi32>
    %convert_element_type3A_80 = arith.sitofp %convert_element_type3A_79 : vector<2x3200xi32> to vector<2x3200xf32>
    %reduce_sum3A_81 = vector.shape_cast %convert_element_type3A_80 : vector<2x3200xf32> to vector<1x2x3200xf32>
    %reduce_sum3A_82 = arith.constant dense<0.000000e+00> : vector<1xf32>
    %reduce_sum3A_83 = vector.multi_reduction <add>, %reduce_sum3A_81, %reduce_sum3A_82 [1, 2] : vector<1x2x3200xf32> to vector<1xf32>
    %reduce_sum3A_84 = vector.shape_cast %reduce_sum3A_83 : vector<1xf32> to vector<1x1x1xf32>
    %reduce_sum3A_85 = vector.extract %reduce_sum3A_84[0, 0, 0] : f32 from vector<1x1x1xf32>
    %reshape3A_86 = vector.broadcast %reduce_sum3A_85 : f32 to vector<1x1xf32>
    %add3A_87 = arith.addf %get3A_78, %reshape3A_86 : vector<1x1xf32>
    %swap3A_88 = arith.constant 0 : index
    %swap3A_89 = arith.constant 0 : index
    %swap3A_90 = vector.load %arg9[%swap3A_88, %swap3A_89] : memref<1x1xf32, #tpu.memory_space<vmem>>, vector<1x1xf32>
    tpu.vector_store %arg9[%swap3A_88, %swap3A_89], %add3A_87 {strides = array<i32>} : memref<1x1xf32, #tpu.memory_space<vmem>>, vector<1x1xf32>,
    return
  }
  func.func @transform_0(%arg0: i32) -> (i32, i32) {
    %c0_i32 = arith.constant 0 : i32
    %c0_i32_0 = arith.constant 0 : i32
    return %arg0, %c0_i32 : i32, i32
  }
  func.func @transform_1(%arg0: i32) -> (i32, i32) {
    %c0_i32 = arith.constant 0 : i32
    %c0_i32_0 = arith.constant 0 : i32
    %c0_i32_1 = arith.constant 0 : i32
    return %c0_i32, %c0_i32_0 : i32, i32
  }
  func.func @transform_2(%arg0: i32) -> (i32, i32) {
    %c0_i32 = arith.constant 0 : i32
    %c0_i32_0 = arith.constant 0 : i32
    %c0_i32_1 = arith.constant 0 : i32
    return %c0_i32, %c0_i32_0 : i32, i32
  }
  func.func @transform_3(%arg0: i32) -> (i32, i32) {
    %c0_i32 = arith.constant 0 : i32
    %c0_i32_0 = arith.constant 0 : i32
    %c0_i32_1 = arith.constant 0 : i32
    return %c0_i32, %c0_i32_0 : i32, i32
  }
  func.func @transform_4(%arg0: i32) -> (i32, i32) {
    %c0_i32 = arith.constant 0 : i32
    %c0_i32_0 = arith.constant 0 : i32
    %c0_i32_1 = arith.constant 0 : i32
    return %c0_i32, %c0_i32_0 : i32, i32
  }
  func.func @transform_5(%arg0: i32) -> (i32, i32) {
    %c0_i32 = arith.constant 0 : i32
    %c0_i32_0 = arith.constant 0 : i32
    %c0_i32_1 = arith.constant 0 : i32
    return %c0_i32, %c0_i32_0 : i32, i32
  }
  func.func @transform_6(%arg0: i32) -> (i32, i32) {
    %c0_i32 = arith.constant 0 : i32
    %c0_i32_0 = arith.constant 0 : i32
    return %c0_i32, %arg0 : i32, i32
  }
  func.func @transform_7(%arg0: i32) -> (i32, i32) {
    %c0_i32 = arith.constant 0 : i32
    %c0_i32_0 = arith.constant 0 : i32
    %c0_i32_1 = arith.constant 0 : i32
    return %c0_i32, %c0_i32_0 : i32, i32
  }
  func.func @transform_8(%arg0: i32) -> (i32, i32) {
    %c0_i32 = arith.constant 0 : i32
    %c0_i32_0 = arith.constant 0 : i32
    %c0_i32_1 = arith.constant 0 : i32
    return %c0_i32, %c0_i32_0 : i32, i32
  }
}

module attributes {stable_mosaic.version = 14 : i64} {
  func.func @_update_body(%arg0: i32, %arg1: memref<1000x128xf32, #tpu.memory_space<vmem>>, %arg2: memref<1000x1xf32, #tpu.memory_space<vmem>>, %arg3: memref<1000x128xf32, #tpu.memory_space<vmem>>) attributes {dimension_semantics = [#tpu.dimension_semantics<arbitrary>], iteration_bounds = array<i64: 10>, scalar_prefetch = 0 : i64, scratch_operands = 0 : i64, tpu.core_type = #tpu.core_type<tc>, window_params = [{transform_indices = @transform_0, window_bounds = array<i64: 1000, 128>}, {transform_indices = @transform_1, window_bounds = array<i64: 1000, 1>}, {transform_indices = @transform_2, window_bounds = array<i64: 1000, 128>}]} {
    %get3A = arith.constant 0 : index
    %get3A_0 = arith.constant 0 : index
    %get3A_1 = vector.load %arg1[%get3A, %get3A_0] : memref<1000x128xf32, #tpu.memory_space<vmem>>, vector<1000x128xf32>
    %get3A_2 = arith.constant 0 : index
    %get3A_3 = arith.constant 0 : index
    %get3A_4 = vector.load %arg2[%get3A_2, %get3A_3] : memref<1000x1xf32, #tpu.memory_space<vmem>>, vector<1000x1xf32>
    %tanh3A = math.tanh %get3A_1 : vector<1000x128xf32>
    %mul3A = vector.broadcast %get3A_4 : vector<1000x1xf32> to vector<1000x128xf32>
    %mul3A_5 = arith.mulf %mul3A, %tanh3A : vector<1000x128xf32>
    %add3A = arith.addf %get3A_1, %mul3A_5 : vector<1000x128xf32>
    %swap3A = arith.constant 0 : index
    %swap3A_6 = arith.constant 0 : index
    %swap3A_7 = vector.load %arg3[%swap3A, %swap3A_6] : memref<1000x128xf32, #tpu.memory_space<vmem>>, vector<1000x128xf32>
    tpu.vector_store %arg3[%swap3A, %swap3A_6], %add3A {strides = array<i32>} : memref<1000x128xf32, #tpu.memory_space<vmem>>, vector<1000x128xf32>,
    return
  }
  func.func @transform_0(%arg0: i32) -> (i32, i32) {
    %c0_i32 = arith.constant 0 : i32
    %c0_i32_0 = arith.constant 0 : i32
    return %arg0, %c0_i32 : i32, i32
  }
  func.func @transform_1(%arg0: i32) -> (i32, i32) {
    %c0_i32 = arith.constant 0 : i32
    %c0_i32_0 = arith.constant 0 : i32
    return %arg0, %c0_i32 : i32, i32
  }
  func.func @transform_2(%arg0: i32) -> (i32, i32) {
    %c0_i32 = arith.constant 0 : i32
    %c0_i32_0 = arith.constant 0 : i32
    return %arg0, %c0_i32 : i32, i32
  }
}

</mosaic_0001>

<sc_bundles>
// kernel: _run.10.cloned.1.call-start
scs
__scs_entry_jumppad:
0x0: {  	(pc) =	sbr.rel $0x88, $3  }
0x1: {  	(tag) =	ssettag $0x0;
	lr =	simm.s32 $0x1  }
0x2: {  	[smem:$0x3F99] =	sst lr;
	_ =	strace $0xD0000000  }
0x3: {  	_ = 	snop  }
0x4: {  	_ = 	snop  }
0x5: {  	_ = 	snop  }
0x6: {  	_ = 	snop  }
0x7: {  	_ = 	snop  }
__scs_overlays_trampoline_lowered:
0x8: {  	[smem:$0x3FA8] =	sst s0  }
0x9: {  	[smem:$0x3FA9] =	sst s1  }
0xa: {  	[smem:$0x3FAA] =	sst s2  }
0xb: {  	[smem:$0x3FAB] =	sst s3  }
0xc: {  	[smem:$0x3FAC] =	sst s4  }
0xd: {  	[smem:$0x3FAD] =	sst s5  }
0xe: {  	[smem:$0x3FAE] =	sst s6  }
0xf: {  	[smem:$0x3FAF] =	sst s7  }
0x10: {  	[smem:$0x3FB0] =	sst s8  }
0x11: {  	[smem:$0x3FB1] =	sst s9;
	s0 =	simm.s32 @!p0 $0x0  }
0x12: {  	s1 =	sld [smem:$0x3F97];
	s0 =	simm.s32 @p0 $0x1  }
0x13: {  	[smem:$0x3FB2] =	sst s0;
	s0 =	simm.s32 @!p1 $0x0  }
0x14: {  	s2 =	sld [smem:$0x3F96];
	s0 =	simm.s32 @p1 $0x1  }
0x15: {  	[smem:$0x3FB3] =	sst s0;
	s0 =	simm.s32 @!p2 $0x0  }
0x16: {  	s3 =	sld [smem:$0x3FDB];
	s0 =	simm.s32 @p2 $0x1  }
0x17: {  	s4 =	simm.s32 $0x1BF5;
	[smem:$0x3FB5] =	sst s0  }
0x18: {  	s0 =	sld [smem:$0x3F98];
	_ =	swait.ge [sflag:s4], $0x0  }
0x19: {  	s7 =	sld [smem:$0x3F99]  }
0x1a: {  	s8 =	sadd.s32 $0xFFFFE003, lr  }
0x1b: {  	s9 =	sadd.s32 $0xFFFFFEF7, lr;
	s5 =	simm.s32 $0xFFFFFFFF;
	p2 =	slt.u32 s8, $0xFFFFF086  }
0x1c: {  	p1 =	slt.u32 s9, $0xF7A;
	s5 =	simm.s32 @!p2 $0x0  }
0x1d: {  	s5 =	simm.s32 @p1 $0x1;
	p0 =	seq.s32 s7, s2  }
0x1e: {  	s7 =	smul.u32 @!p0 $0xF7A, s2;
	p2 =	seq.s32 @!p0 s5, $0x0  }
0x1f: {  	s9 =	smul.u32 $0xF7A, s1;
	s8 =	simm.s32 @!p0 $0x1BF5;
	p2 =	por !p2, p0  }
0x20: {  	[sflag:s8] =	ssyncset.s32 @!p0 $0xFFFFF086;
	s6 =	sadd.s32 @!p0 s3, s7;
	s7 =	simm.s32 @!p0 $0x108  }
0x21: {  	s3 =	sadd.s32 s3, s9;
	s6 =	sadd.s32 @!p0 $0x88, s6;
	s7 =	simm.s32 @p2 $0x1082  }
0x22: {  	[simem:s7], [sflag:s8] =	dma.local @!p0 [hbm:s6], $0xF7A  }
0x23: {  	s9 =	sor.u32 $0xD0000000, s2;
	s6 =	simm.s32 $0x108;
	_ =	swait.ge @!p0 [sflag:s8], $0x0  }
0x24: {  	s3 =	sadd.s32 $0x88, s3;
	s6 =	simm.s32 @!p1 $0x1082;
	[sflag:s4] =	ssyncset.s32 $0xFFFFF086  }
0x25: {  	[simem:s6], [sflag:s4] =	dma.local [hbm:s3], $0xF7A  }
0x26: {  	[smem:$0x3F99] =	sst s1;
	(tag) =	ssettag s2;
	_ =	strace s9  }
0x27: {  	s1 =	sld [smem:$0x3FA9]  }
0x28: {  	s2 =	sld [smem:$0x3FAA]  }
0x29: {  	s4 =	sld [smem:$0x3FAC]  }
0x2a: {  	p0 =	seq.s32 s5, $0x0;
	s5 =	sld [smem:$0x3FAD]  }
0x2b: {  	s6 =	sld [smem:$0x3FAE]  }
0x2c: {  	s7 =	sld [smem:$0x3FAF]  }
0x2d: {  	s3 =	simm.s32 $0x108;
	s8 =	sld [smem:$0x3FB0]  }
0x2e: {  	s3 =	simm.s32 @!p0 $0x1082;
	s9 =	sld [smem:$0x3FB1]  }
0x2f: {  	lr =	sadd.s32 s0, s3;
	s0 =	sld [smem:$0x3FA8]  }
0x30: {  	s3 =	sld [smem:$0x3FAB]  }
0x31: {  	[smem:$0x3FB4] =	sst s10  }
0x32: {  	s10 =	sld [smem:$0x3FB2];
	_ =	sdelay $0x3  }
0x33: {  	p0 =	seq.s32 s10, $0x1;
	s10 =	sld [smem:$0x3FB4];
	_ =	sdelay $0x3  }
0x34: {  	[smem:$0x3FB4] =	sst s10  }
0x35: {  	s10 =	sld [smem:$0x3FB3];
	_ =	sdelay $0x3  }
0x36: {  	p1 =	seq.s32 s10, $0x1;
	s10 =	sld [smem:$0x3FB4];
	_ =	sdelay $0x3  }
0x37: {  	[smem:$0x3FB4] =	sst s10  }
0x38: {  	s10 =	sld [smem:$0x3FB5]  }
0x39: {  	_ = 	snop;
	(pc) =	sbr.ind lr, $3  }
0x3a: {  	_ = 	snop  }
0x3b: {  	_ = 	snop  }
0x3c: {  	p2 =	seq.s32 s10, $0x1;
	s10 =	sld [smem:$0x3FB4]  }
0x3d: {  	_ =	shalt  }
0x3e: {  	_ =	shalt  }
0x3f: {  	_ =	shalt  }
0x40: {  	_ =	shalt  }
0x41: {  	_ =	shalt  }
0x42: {  	_ =	shalt  }
0x43: {  	_ =	shalt  }
0x44: {  	_ =	shalt  }
0x45: {  	_ =	shalt  }
0x46: {  	_ =	shalt  }
0x47: {  	_ =	shalt  }
0x48: {  	_ =	shalt  }
0x49: {  	_ =	shalt  }
0x4a: {  	_ =	shalt  }
0x4b: {  	_ =	shalt  }
0x4c: {  	_ =	shalt  }
0x4d: {  	_ =	shalt  }
0x4e: {  	_ =	shalt  }
0x4f: {  	_ =	shalt  }
0x50: {  	_ =	shalt  }
0x51: {  	_ =	shalt  }
0x52: {  	_ =	shalt  }
0x53: {  	_ =	shalt  }
0x54: {  	_ =	shalt  }
0x55: {  	_ =	shalt  }
0x56: {  	_ =	shalt  }
0x57: {  	_ =	shalt  }
0x58: {  	_ =	shalt  }
0x59: {  	_ =	shalt  }
0x5a: {  	_ =	shalt  }
0x5b: {  	_ =	shalt  }
0x5c: {  	_ =	shalt  }
0x5d: {  	_ =	shalt  }
0x5e: {  	_ =	shalt  }
0x5f: {  	_ =	shalt  }
0x60: {  	_ =	shalt  }
0x61: {  	_ =	shalt  }
0x62: {  	_ =	shalt  }
0x63: {  	_ =	shalt  }
0x64: {  	_ =	shalt  }
0x65: {  	_ =	shalt  }
0x66: {  	_ =	shalt  }
0x67: {  	_ =	shalt  }
0x68: {  	_ =	shalt  }
0x69: {  	_ =	shalt  }
0x6a: {  	_ =	shalt  }
0x6b: {  	_ =	shalt  }
0x6c: {  	_ =	shalt  }
0x6d: {  	_ =	shalt  }
0x6e: {  	_ =	shalt  }
0x6f: {  	_ =	shalt  }
0x70: {  	_ =	shalt  }
0x71: {  	_ =	shalt  }
0x72: {  	_ =	shalt  }
0x73: {  	_ =	shalt  }
0x74: {  	_ =	shalt  }
0x75: {  	_ =	shalt  }
0x76: {  	_ =	shalt  }
0x77: {  	_ =	shalt  }
0x78: {  	_ =	shalt  }
0x79: {  	_ =	shalt  }
0x7a: {  	_ =	shalt  }
0x7b: {  	_ =	shalt  }
0x7c: {  	_ =	shalt  }
0x7d: {  	_ =	shalt  }
0x7e: {  	_ =	shalt  }
0x7f: {  	_ =	shalt  }
0x80: {  	_ =	shalt  }
0x81: {  	_ =	shalt  }
0x82: {  	_ =	shalt  }
0x83: {  	_ =	shalt  }
0x84: {  	_ =	shalt  }
0x85: {  	_ =	shalt  }
0x86: {  	_ =	shalt  }
0x87: {  	_ =	shalt  }
.Lfunc_end0:
.L_simem_size_0:
called_computation.1_lowered:
.L_overlay_start_0:
0x88: {  	s2 =	sld [smem:$0x3FD9]  }
0x89: {  	s3 =	sld [smem:$0x3FFE];
	_ =	sdelay $0x1  }
0x8a: {  	s1 =	srdreg.scid  }
0x8b: {  	s0 =	sand.u32 $0x1, s1  }
0x8c: {  	s14 =	sshll.u32 s0, $0xA;
	s2 =	sadd.s32 s3, s2  }
0x8d: {  	s2 =	sadd.s32 s2, s14  }
0x8e: {  	[smem:$0x3FC0] =	sst s2  }
0x8f: {  	_ = 	snop  }
0x90: {  	s2 =	sld [smem:$0x3FD0];
	_ =	sdelay $0x2  }
0x91: {  	s15 =	simm.s32 $0xA;
	s4 =	simm.s32 $0x10  }
0x92: {  	[smem:s4], [sflag:s15] =	dma.local [hbm:s2], $0x1  }
0x93: {  	_ =	swait.eq [sflag:s15], $0x1  }
0x94: {  	[sflag:s15] =	ssyncset.done $0x0  }
0x95: {  	[sflag:s15] =	ssyncadd.s32 $0xFFFFFFFF  }
0x96: {  	s16 =	sld [smem:$0x10];
	(tm) =	ssettm $0x1  }
0x97: {  	s17 =	sld [smem:$0x3FFB];
	_ =	sdelay $0x3  }
0x98: {  	_ =	strace s17  }
0x99: {  	s3 =	sld [smem:$0x3FFC];
	_ =	sdelay $0x3  }
0x9a: {  	_ =	strace s3  }
0x9b: {  	s3 =	sld [smem:$0x3FFD];
	_ =	sdelay $0x3  }
0x9c: {  	_ =	strace s3  }
0x9d: {  	_ =	strace $0x8FFFFFFF  }
0x9e: {  	s18 =	sld [smem:$0x3FDB];
	_ =	sdelay $0x1  }
0x9f: {  	s19 =	simm.s32 $_scs_section_size  }
0xa0: {  	s5 =	simm.s32 $_size__tile_overlayer_lowered;
	s6 =	simm.s32 $_tile_overlayer_lowered  }
0xa1: {  	s22 =	simm.s32 $0x1BFF;
	s21 =	sshll.u32 s6, $0x1;
	s3 =	sadd.s32 s19, s18  }
0xa2: {  	s7 =	simm.s32 $0x0;
	s20 =	sshll.u32 s5, $0x1;
	s5 =	sadd.s32 s21, s3  }
0xa3: {  	[timem:s7], [sflag:s22] =	dma.local [hbm:s5], s20  }
0xa4: {  	_ =	swait.ge [sflag:s22], s20  }
0xa5: {  	s4 =	ssub.s32 $0x0, s20;
	[sflag:s22] =	ssyncset.done $0x0  }
0xa6: {  	[sflag:s22] =	ssyncadd.s32 s4;
	_ =	sdelay $0x1  }
0xa7: {  	s23 =	simm.s32 $0x1B8B  }
0xa8: {  	_ =	swait.ge [sflag:s23], $0x1  }
0xa9: {  	[sflag:s23] =	ssyncset.done $0x0  }
0xaa: {  	s25 =	simm.s32 $0x1B8E;
	s24 =	sld [smem:$0x3FFE];
	[sflag:s23] =	ssyncadd.s32 $0xFFFFFFFF  }
0xab: {  	s26 =	simm.s32 $execute0_lowered;
	[smem:$0x3FD2] =	sst s25  }
0xac: {  	s5 =	sshll.u32 s26, $0x1;
	_ =	strace $0x80000049;
	[dreg:$0x1] =	wrdreg $0xFFFFFFFF  }
0xad: {  	s28 =	simm.s32 $_size_execute0_lowered;
	s3 =	sadd.s32 s3, s5;
	[dreg:$0x0] =	wrdreg $0x0  }
0xae: {  	s5 =	sshll.u32 s28, $0x1;
	[dreg:$0x2] =	wrdreg s3  }
0xaf: {  	[dreg:$0x3] =	wrdreg s5  }
0xb0: {  	[dreg:$0x4] =	wrdreg $0xC0  }
0xb1: {  	_ =	task [dreg:s7], $0x5FFFF  }
0xb2: {  	[dreg:$0x1] =	wrdreg $0xFFFFFFFF  }
0xb3: {  	[dreg:$0x0] =	wrdreg $0x60  }
0xb4: {  	[dreg:$0x2] =	wrdreg s16  }
0xb5: {  	[dreg:$0x3] =	wrdreg s24  }
0xb6: {  	[dreg:$0x4] =	wrdreg $0xA2300  }
0xb7: {  	[dreg:$0x5] =	wrdreg $0x9  }
0xb8: {  	_ =	task.clear_ibuf [dreg:s7], $0x6FFFF;
	_ =	strace $0x90000049  }
0xb9: {  	s29 =	simm.s32 $0x9;
	_ =	strace $0x8000004B  }
0xba: {  	_ =	swait.ge [sflag:s29], $0x1  }
0xbb: {  	[sflag:s29] =	ssyncadd.s32 $0xFFFFFFFF  }
0xbc: {  	_ =	strace $0x9000004B  }
0xbd: {  	_ =	sfence  }
0xbe: {  	s30 =	sld [smem:$0x0];
	_ =	sdelay $0x2  }
0xbf: {  	s31 =	sshll.u32 s1, $0xD;
	s1 =	sshrl.u32 s1, $0x2  }
0xc0: {  	s3 =	sand.u32 $0x4000, s31;
	s1 =	sadd.s32 s1, s30  }
0xc1: {  	s0 =	sor.u32 s3, s0;
	s1 =	sshll.u32 s1, $0x11  }
0xc2: {  	s0 =	sor.u32 s1, s0  }
0xc3: {  	s0 =	sadd.s32 $0x8F2B, s0  }
0xc4: {  	[sflag:s0] =	ssyncadd.remote.s32 $0x1  }
0xc5: {  	_ =	sfence.sel $0xFFFF  }
0xc6: {  	[dreg:$0x0] =	wrdreg $0xFFFFFFFF;
	(pc) =	sbr.abs _section_cstart, $3  }
0xc7: {  	[dreg:$0x1] =	wrdreg $0xFFFFFFFF  }
0xc8: {  	_ =	task.clear_ibuf [dreg:s7], $0x2FFFF;
	_ =	strace $0x9FFFFFFF  }
0xc9: {  	(tm) =	ssettm $0x7FFFFFFF  }
tec
execute0_lowered:
.L_overlay_start_1:
0x0: {  	(tag) =	ssettag $0x1  }
0x1: {  	s1 =	rddreg [dreg:$0x0]  }
0x2: {  	s0 =	srdreg.scid;
	s3 =	rddreg [dreg:$0x1]  }
0x3: {  	s9 =	stileid.u32;
	s7 =	rddreg [dreg:$0x2];
	s25 =	simm.s32 $0x1  }
0x4: {  	s29 =	simm.s32 $0x7530;
	s30 =	simm.s32 $0x9D30;
	s8 =	smul.u32 $0x280, s9  }
0x5: {  	s0 =	sand.u32 $0x1, s0;
	s2 =	sshll.u32 s9, $0x1;
	s9 =	smul.u32 $0xA000, s9  }
0x6: {  	s31 =	simm.s32 $0x9FB0;
	s2 =	sor.u32 s0, s2;
	s5 =	smul.u32 $0x2800, s0  }
0x7: {  	s0 =	ssub.s32 $0x2, s0;
	s4 =	smul.u32 $0x2710, s2;
	s2 =	simm.s32 $0x0  }
0x8: {  	s6 =	sshrl.u32 s0, $0x1;
	s28 =	sshrl.u32 s9, $0x2;
	[smem:$0x7FF] =	sst s2  }
0x9: {  	s5 =	sadd.s32 s8, s5;
	s0 =	ssub.s32 s0, s6;
	s6 =	sadd.s32 s28, s7  }
0xa: {  	s7 =	sadd.s32 s8, s7;
	_ =	strace $0x8000004A;
	s4 =	sshrl.u32 s4, $0x3  }
0xb: {  	s5 =	sshrl.u32 s5, $0x3;
	s8 =	sadd.s32 $0x2800, s7;
	s9 =	sadd.s32 $0x5000, s7  }
0xc: {  	s11 =	sadd.s32 $0xA000, s7;
	s12 =	sadd.s32 $0xC800, s7;
	s13 =	sadd.s32 $0xF000, s7  }
0xd: {  	s14 =	sadd.s32 $0x11800, s7;
	s15 =	sadd.s32 $0x14000, s7;
	s16 =	sadd.s32 $0x16800, s7  }
0xe: {  	s17 =	sadd.s32 $0x19000, s7;
	s18 =	sadd.s32 $0x1B800, s7;
	s19 =	sadd.s32 $0x1E000, s7  }
0xf: {  	s20 =	sadd.s32 $0x20800, s7;
	s21 =	sadd.s32 $0x23000, s7;
	s22 =	sadd.s32 $0x25800, s7  }
0x10: {  	s24 =	smax.u32 s0, $0x1;
	s10 =	sadd.s32 s4, s3;
	s23 =	sadd.s32 s5, s3  }
0x11: {  	s3 =	sadd.s32 s1, s4;
	s1 =	simm.s32 $0x0;
	s4 =	sadd.s32 $0x15C00, s10  }
0x12: {  	v0 =	vimm.f32 $0.0e+00;
	s5 =	sadd.s32 $0x1F840, s10;
	s10 =	sadd.s32 $0x7800, s7;
	s23 =	sadd.s32 $0x2400, s23  }
.LBB2_1:
0x13: {  	[tilespmem:s2], [sflag:$0x1] =	stream.linear.gather [hbm4b:s3+s2], $0x2710, $0x38;
	[tilespmem:$0xCA30] =	vst v63  }
0x14: {  	_ =	swait.ge [sflag:s25], $0x2710  }
0x15: {  	[sflag:s25] =	ssyncset.done $0x0  }
0x16: {  	s0 =	simm.s32 $0x2710;
	[sflag:s25] =	ssyncadd.s32 $0xFFFFD8F0  }
0x17: {  	[tilespmem:s0], [sflag:$0x1] =	stream.linear.gather [hbm4b:s4+s2], $0x2710, $0x38;
	[tilespmem:$0xCA30] =	vst v63  }
0x18: {  	_ =	swait.ge [sflag:s25], $0x2710  }
0x19: {  	[sflag:s25] =	ssyncset.done $0x0  }
0x1a: {  	s28 =	simm.s32 $0x4E20;
	[sflag:s25] =	ssyncadd.s32 $0xFFFFD8F0  }
0x1b: {  	[tilespmem:s28], [sflag:$0x1] =	stream.linear.gather [hbm4b:s5+s2], $0x2710, $0x38;
	[tilespmem:$0xCA30] =	vst v63  }
0x1c: {  	_ =	swait.ge [sflag:s25], $0x2710  }
0x1d: {  	[sflag:s25] =	ssyncset.done $0x0  }
0x1e: {  	s0 =	simm.s32 $0x0;
	[sflag:s25] =	ssyncadd.s32 $0xFFFFD8F0  }
.LBB2_2:
0x1f: {  	p0 =	sne.s32 s0, $0x9FC0  }
.Ltmp0:
0x20: {  	_ = 	snop;
	(pc) =	sbr.rel @p0 .LBB2_2-.Ltmp0, $3  }
0x21: {  	_ =	sdelay $0x1  }
0x22: {  	s26 =	sshra.s32 s0, $0x2  }
0x23: {  	s0 =	sadd.s32 $0x40, s0;
	[tilespmem:s26+$0x7530] =	vst v0  }
0x24: {  	s28 =	simm.s32 $0x0  }
0x25: {  	v2 =	vld [tilespmem:s28+$0x2710];
	_ =	sdelay $0x2  }
0x26: {  	v1 =	vld [tilespmem:s28+$0x0];
	_ =	sdelay $0x4  }
0x27: {  	[tilespmem:v2+s29+$0x0] =	vst.idx.add.f32.msk $0xffff, v1  }
0x28: {  	s0 =	simm.s32 $0x40;
	s26 =	simm.s32 $0x80;
	v2 =	vld [tilespmem:s28+$0x4E20]  }
.LBB2_4:
0x29: {  	_ =	sdelay $0x5  }
0x2a: {  	p0 =	sne.s32 s26, $0x9C00  }
0x2b: {  	s28 =	sshra.s32 s0, $0x2;
	s0 =	smov.u32 s26;
	s26 =	sadd.s32 $0x40, s26;
	[tilespmem:v2+s29+$0x0] =	vst.idx.add.f32.msk $0xffff, v1  }
0x2c: {  	v2 =	vld [tilespmem:s28+$0x2710];
	_ =	sdelay $0x2  }
0x2d: {  	v1 =	vld [tilespmem:s28+$0x0];
	_ =	sdelay $0x1  }
.Ltmp1:
0x2e: {  	(pc) =	sbr.rel @p0 .LBB2_4-.Ltmp1, $3  }
0x2f: {  	_ =	sdelay $0x1  }
0x30: {  	[tilespmem:v2+s29+$0x0] =	vst.idx.add.f32.msk $0xffff, v1  }
0x31: {  	v2 =	vld [tilespmem:s28+$0x4E20]  }
0x32: {  	_ =	sdelay $0x7  }
0x33: {  	s0 =	sshra.s32 s0, $0x2;
	[tilespmem:v2+s29+$0x0] =	vst.idx.add.f32.msk $0xffff, v1  }
0x34: {  	v1 =	vld [tilespmem:s0+$0x2710];
	_ =	sdelay $0x2  }
0x35: {  	v2 =	vld [tilespmem:s0+$0x0];
	_ =	sdelay $0x4  }
0x36: {  	[tilespmem:v1+s29+$0x0] =	vst.idx.add.f32.msk $0xffff, v2  }
0x37: {  	v1 =	vld [tilespmem:s0+$0x4E20];
	_ =	sdelay $0x7  }
0x38: {  	[tilespmem:v1+s29+$0x0] =	vst.idx.add.f32.msk $0xffff, v2  }
0x39: {  	[spmem:s6] =	stream.linear.scatter [tilespmem:s29], [sflag:$0x1], $0x2800, $0x38;
	[tilespmem:$0xCA30] =	vst v63  }
0x3a: {  	_ =	swait.ge [sflag:s25], $0x2800  }
0x3b: {  	[sflag:s25] =	ssyncset.done $0x0  }
0x3c: {  	[sflag:s25] =	ssyncadd.s32 $0xFFFFD800  }
0x3d: {  	[bflag:$0x0] =	sbarrier.arrive $0xFFFF  }
0x3e: {  	[tilespmem:s30], [sflag:$0x1] =	stream.linear.gather [spmem:s7], $0x280, $0x38;
	[tilespmem:$0xCA30] =	vst v63  }
0x3f: {  	_ =	swait.ge [sflag:s25], $0x280  }
0x40: {  	[sflag:s25] =	ssyncset.done $0x0  }
0x41: {  	[sflag:s25] =	ssyncadd.s32 $0xFFFFFD80  }
0x42: {  	[tilespmem:s31], [sflag:$0x1] =	stream.linear.gather [spmem:s8], $0x280, $0x38;
	[tilespmem:$0xCA30] =	vst v63  }
0x43: {  	_ =	swait.ge [sflag:s25], $0x280  }
0x44: {  	[sflag:s25] =	ssyncset.done $0x0  }
0x45: {  	s0 =	simm.s32 $0x0;
	[sflag:s25] =	ssyncadd.s32 $0xFFFFFD80  }
0x46: {  	s26 =	simm.s32 $0x40;
	v1 =	vld [tilespmem:s0+$0x9FB0]  }
.LBB2_6:
0x47: {  	p0 =	sne.s32 s26, $0x9C0;
	v2 =	vld [tilespmem:s0+$0x9D30];
	_ =	sdelay $0x2  }
.Ltmp2:
0x48: {  	(pc) =	sbr.rel @p0 .LBB2_6-.Ltmp2, $4  }
0x49: {  	_ = 	snop  }
0x4a: {  	v2 =	vadd.f32 v1, v2  }
0x4b: {  	s28 =	sshra.s32 s26, $0x2  }
0x4c: {  	s26 =	sadd.s32 $0x40, s26;
	v1 =	vld [tilespmem:s28+$0x9FB0];
	[tilespmem:s0+$0x9D30] =	vst v2;
	s0 =	smov.u32 s28  }
0x4d: {  	v2 =	vld [tilespmem:s0+$0x9D30];
	_ =	sdelay $0x4  }
0x4e: {  	v1 =	vadd.f32 v1, v2;
	_ =	sdelay $0x1  }
0x4f: {  	[tilespmem:s0+$0x9D30] =	vst v1  }
0x50: {  	[tilespmem:s31], [sflag:$0x1] =	stream.linear.gather [spmem:s9], $0x280, $0x38;
	[tilespmem:$0xCA30] =	vst v63  }
0x51: {  	_ =	swait.ge [sflag:s25], $0x280  }
0x52: {  	[sflag:s25] =	ssyncset.done $0x0  }
0x53: {  	s0 =	simm.s32 $0x0;
	[sflag:s25] =	ssyncadd.s32 $0xFFFFFD80  }
0x54: {  	s26 =	simm.s32 $0x40;
	v1 =	vld [tilespmem:s0+$0x9FB0]  }
.LBB2_8:
0x55: {  	p0 =	sne.s32 s26, $0x9C0;
	v2 =	vld [tilespmem:s0+$0x9D30];
	_ =	sdelay $0x2  }
.Ltmp3:
0x56: {  	(pc) =	sbr.rel @p0 .LBB2_8-.Ltmp3, $4  }
0x57: {  	_ = 	snop  }
0x58: {  	v2 =	vadd.f32 v1, v2  }
0x59: {  	s28 =	sshra.s32 s26, $0x2  }
0x5a: {  	s26 =	sadd.s32 $0x40, s26;
	v1 =	vld [tilespmem:s28+$0x9FB0];
	[tilespmem:s0+$0x9D30] =	vst v2;
	s0 =	smov.u32 s28  }
0x5b: {  	v2 =	vld [tilespmem:s0+$0x9D30];
	_ =	sdelay $0x4  }
0x5c: {  	v1 =	vadd.f32 v1, v2;
	_ =	sdelay $0x1  }
0x5d: {  	[tilespmem:s0+$0x9D30] =	vst v1  }
0x5e: {  	[tilespmem:s31], [sflag:$0x1] =	stream.linear.gather [spmem:s10], $0x280, $0x38;
	[tilespmem:$0xCA30] =	vst v63  }
0x5f: {  	_ =	swait.ge [sflag:s25], $0x280  }
0x60: {  	[sflag:s25] =	ssyncset.done $0x0  }
0x61: {  	s0 =	simm.s32 $0x0;
	[sflag:s25] =	ssyncadd.s32 $0xFFFFFD80  }
0x62: {  	s26 =	simm.s32 $0x40;
	v1 =	vld [tilespmem:s0+$0x9FB0]  }
.LBB2_10:
0x63: {  	p0 =	sne.s32 s26, $0x9C0;
	v2 =	vld [tilespmem:s0+$0x9D30];
	_ =	sdelay $0x2  }
.Ltmp4:
0x64: {  	(pc) =	sbr.rel @p0 .LBB2_10-.Ltmp4, $4  }
0x65: {  	_ = 	snop  }
0x66: {  	v2 =	vadd.f32 v1, v2  }
0x67: {  	s28 =	sshra.s32 s26, $0x2  }
0x68: {  	s26 =	sadd.s32 $0x40, s26;
	v1 =	vld [tilespmem:s28+$0x9FB0];
	[tilespmem:s0+$0x9D30] =	vst v2;
	s0 =	smov.u32 s28  }
0x69: {  	v2 =	vld [tilespmem:s0+$0x9D30];
	_ =	sdelay $0x4  }
0x6a: {  	v1 =	vadd.f32 v1, v2;
	_ =	sdelay $0x1  }
0x6b: {  	[tilespmem:s0+$0x9D30] =	vst v1  }
0x6c: {  	[tilespmem:s31], [sflag:$0x1] =	stream.linear.gather [spmem:s11], $0x280, $0x38;
	[tilespmem:$0xCA30] =	vst v63  }
0x6d: {  	_ =	swait.ge [sflag:s25], $0x280  }
0x6e: {  	[sflag:s25] =	ssyncset.done $0x0  }
0x6f: {  	s0 =	simm.s32 $0x0;
	[sflag:s25] =	ssyncadd.s32 $0xFFFFFD80  }
0x70: {  	s26 =	simm.s32 $0x40;
	v1 =	vld [tilespmem:s0+$0x9FB0]  }
.LBB2_12:
0x71: {  	p0 =	sne.s32 s26, $0x9C0;
	v2 =	vld [tilespmem:s0+$0x9D30];
	_ =	sdelay $0x2  }
.Ltmp5:
0x72: {  	(pc) =	sbr.rel @p0 .LBB2_12-.Ltmp5, $4  }
0x73: {  	_ = 	snop  }
0x74: {  	v2 =	vadd.f32 v1, v2  }
0x75: {  	s28 =	sshra.s32 s26, $0x2  }
0x76: {  	s26 =	sadd.s32 $0x40, s26;
	v1 =	vld [tilespmem:s28+$0x9FB0];
	[tilespmem:s0+$0x9D30] =	vst v2;
	s0 =	smov.u32 s28  }
0x77: {  	v2 =	vld [tilespmem:s0+$0x9D30];
	_ =	sdelay $0x4  }
0x78: {  	v1 =	vadd.f32 v1, v2;
	_ =	sdelay $0x1  }
0x79: {  	[tilespmem:s0+$0x9D30] =	vst v1  }
0x7a: {  	[tilespmem:s31], [sflag:$0x1] =	stream.linear.gather [spmem:s12], $0x280, $0x38;
	[tilespmem:$0xCA30] =	vst v63  }
0x7b: {  	_ =	swait.ge [sflag:s25], $0x280  }
0x7c: {  	[sflag:s25] =	ssyncset.done $0x0  }
0x7d: {  	s0 =	simm.s32 $0x0;
	[sflag:s25] =	ssyncadd.s32 $0xFFFFFD80  }
0x7e: {  	s26 =	simm.s32 $0x40;
	v1 =	vld [tilespmem:s0+$0x9FB0]  }
.LBB2_14:
0x7f: {  	p0 =	sne.s32 s26, $0x9C0;
	v2 =	vld [tilespmem:s0+$0x9D30];
	_ =	sdelay $0x2  }
.Ltmp6:
0x80: {  	(pc) =	sbr.rel @p0 .LBB2_14-.Ltmp6, $4  }
0x81: {  	_ = 	snop  }
0x82: {  	v2 =	vadd.f32 v1, v2  }
0x83: {  	s28 =	sshra.s32 s26, $0x2  }
0x84: {  	s26 =	sadd.s32 $0x40, s26;
	v1 =	vld [tilespmem:s28+$0x9FB0];
	[tilespmem:s0+$0x9D30] =	vst v2;
	s0 =	smov.u32 s28  }
0x85: {  	v2 =	vld [tilespmem:s0+$0x9D30];
	_ =	sdelay $0x4  }
0x86: {  	v1 =	vadd.f32 v1, v2;
	_ =	sdelay $0x1  }
0x87: {  	[tilespmem:s0+$0x9D30] =	vst v1  }
0x88: {  	[tilespmem:s31], [sflag:$0x1] =	stream.linear.gather [spmem:s13], $0x280, $0x38;
	[tilespmem:$0xCA30] =	vst v63  }
0x89: {  	_ =	swait.ge [sflag:s25], $0x280  }
0x8a: {  	[sflag:s25] =	ssyncset.done $0x0  }
0x8b: {  	s0 =	simm.s32 $0x0;
	[sflag:s25] =	ssyncadd.s32 $0xFFFFFD80  }
0x8c: {  	s26 =	simm.s32 $0x40;
	v1 =	vld [tilespmem:s0+$0x9FB0]  }
.LBB2_16:
0x8d: {  	p0 =	sne.s32 s26, $0x9C0;
	v2 =	vld [tilespmem:s0+$0x9D30];
	_ =	sdelay $0x2  }
.Ltmp7:
0x8e: {  	(pc) =	sbr.rel @p0 .LBB2_16-.Ltmp7, $4  }
0x8f: {  	_ = 	snop  }
0x90: {  	v2 =	vadd.f32 v1, v2  }
0x91: {  	s28 =	sshra.s32 s26, $0x2  }
0x92: {  	s26 =	sadd.s32 $0x40, s26;
	v1 =	vld [tilespmem:s28+$0x9FB0];
	[tilespmem:s0+$0x9D30] =	vst v2;
	s0 =	smov.u32 s28  }
0x93: {  	v2 =	vld [tilespmem:s0+$0x9D30];
	_ =	sdelay $0x4  }
0x94: {  	v1 =	vadd.f32 v1, v2;
	_ =	sdelay $0x1  }
0x95: {  	[tilespmem:s0+$0x9D30] =	vst v1  }
0x96: {  	[tilespmem:s31], [sflag:$0x1] =	stream.linear.gather [spmem:s14], $0x280, $0x38;
	[tilespmem:$0xCA30] =	vst v63  }
0x97: {  	_ =	swait.ge [sflag:s25], $0x280  }
0x98: {  	[sflag:s25] =	ssyncset.done $0x0  }
0x99: {  	s0 =	simm.s32 $0x0;
	[sflag:s25] =	ssyncadd.s32 $0xFFFFFD80  }
0x9a: {  	s26 =	simm.s32 $0x40;
	v1 =	vld [tilespmem:s0+$0x9FB0]  }
.LBB2_18:
0x9b: {  	p0 =	sne.s32 s26, $0x9C0;
	v2 =	vld [tilespmem:s0+$0x9D30];
	_ =	sdelay $0x2  }
.Ltmp8:
0x9c: {  	(pc) =	sbr.rel @p0 .LBB2_18-.Ltmp8, $4  }
0x9d: {  	_ = 	snop  }
0x9e: {  	v2 =	vadd.f32 v1, v2  }
0x9f: {  	s28 =	sshra.s32 s26, $0x2  }
0xa0: {  	s26 =	sadd.s32 $0x40, s26;
	v1 =	vld [tilespmem:s28+$0x9FB0];
	[tilespmem:s0+$0x9D30] =	vst v2;
	s0 =	smov.u32 s28  }
0xa1: {  	v2 =	vld [tilespmem:s0+$0x9D30];
	_ =	sdelay $0x4  }
0xa2: {  	v1 =	vadd.f32 v1, v2;
	_ =	sdelay $0x1  }
0xa3: {  	[tilespmem:s0+$0x9D30] =	vst v1  }
0xa4: {  	[tilespmem:s31], [sflag:$0x1] =	stream.linear.gather [spmem:s15], $0x280, $0x38;
	[tilespmem:$0xCA30] =	vst v63  }
0xa5: {  	_ =	swait.ge [sflag:s25], $0x280  }
0xa6: {  	[sflag:s25] =	ssyncset.done $0x0  }
0xa7: {  	s0 =	simm.s32 $0x0;
	[sflag:s25] =	ssyncadd.s32 $0xFFFFFD80  }
0xa8: {  	s26 =	simm.s32 $0x40;
	v1 =	vld [tilespmem:s0+$0x9FB0]  }
.LBB2_20:
0xa9: {  	p0 =	sne.s32 s26, $0x9C0;
	v2 =	vld [tilespmem:s0+$0x9D30];
	_ =	sdelay $0x2  }
.Ltmp9:
0xaa: {  	(pc) =	sbr.rel @p0 .LBB2_20-.Ltmp9, $4  }
0xab: {  	_ = 	snop  }
0xac: {  	v2 =	vadd.f32 v1, v2  }
0xad: {  	s28 =	sshra.s32 s26, $0x2  }
0xae: {  	s26 =	sadd.s32 $0x40, s26;
	v1 =	vld [tilespmem:s28+$0x9FB0];
	[tilespmem:s0+$0x9D30] =	vst v2;
	s0 =	smov.u32 s28  }
0xaf: {  	v2 =	vld [tilespmem:s0+$0x9D30];
	_ =	sdelay $0x4  }
0xb0: {  	v1 =	vadd.f32 v1, v2;
	_ =	sdelay $0x1  }
0xb1: {  	[tilespmem:s0+$0x9D30] =	vst v1  }
0xb2: {  	[tilespmem:s31], [sflag:$0x1] =	stream.linear.gather [spmem:s16], $0x280, $0x38;
	[tilespmem:$0xCA30] =	vst v63  }
0xb3: {  	_ =	swait.ge [sflag:s25], $0x280  }
0xb4: {  	[sflag:s25] =	ssyncset.done $0x0  }
0xb5: {  	s0 =	simm.s32 $0x0;
	[sflag:s25] =	ssyncadd.s32 $0xFFFFFD80  }
0xb6: {  	s26 =	simm.s32 $0x40;
	v1 =	vld [tilespmem:s0+$0x9FB0]  }
.LBB2_22:
0xb7: {  	p0 =	sne.s32 s26, $0x9C0;
	v2 =	vld [tilespmem:s0+$0x9D30];
	_ =	sdelay $0x2  }
.Ltmp10:
0xb8: {  	(pc) =	sbr.rel @p0 .LBB2_22-.Ltmp10, $4  }
0xb9: {  	_ = 	snop  }
0xba: {  	v2 =	vadd.f32 v1, v2  }
0xbb: {  	s28 =	sshra.s32 s26, $0x2  }
0xbc: {  	s26 =	sadd.s32 $0x40, s26;
	v1 =	vld [tilespmem:s28+$0x9FB0];
	[tilespmem:s0+$0x9D30] =	vst v2;
	s0 =	smov.u32 s28  }
0xbd: {  	v2 =	vld [tilespmem:s0+$0x9D30];
	_ =	sdelay $0x4  }
0xbe: {  	v1 =	vadd.f32 v1, v2;
	_ =	sdelay $0x1  }
0xbf: {  	[tilespmem:s0+$0x9D30] =	vst v1  }
0xc0: {  	[tilespmem:s31], [sflag:$0x1] =	stream.linear.gather [spmem:s17], $0x280, $0x38;
	[tilespmem:$0xCA30] =	vst v63  }
0xc1: {  	_ =	swait.ge [sflag:s25], $0x280  }
0xc2: {  	[sflag:s25] =	ssyncset.done $0x0  }
0xc3: {  	s0 =	simm.s32 $0x0;
	[sflag:s25] =	ssyncadd.s32 $0xFFFFFD80  }
0xc4: {  	s26 =	simm.s32 $0x40;
	v1 =	vld [tilespmem:s0+$0x9FB0]  }
.LBB2_24:
0xc5: {  	p0 =	sne.s32 s26, $0x9C0;
	v2 =	vld [tilespmem:s0+$0x9D30];
	_ =	sdelay $0x2  }
.Ltmp11:
0xc6: {  	(pc) =	sbr.rel @p0 .LBB2_24-.Ltmp11, $4  }
0xc7: {  	_ = 	snop  }
0xc8: {  	v2 =	vadd.f32 v1, v2  }
0xc9: {  	s28 =	sshra.s32 s26, $0x2  }
0xca: {  	s26 =	sadd.s32 $0x40, s26;
	v1 =	vld [tilespmem:s28+$0x9FB0];
	[tilespmem:s0+$0x9D30] =	vst v2;
	s0 =	smov.u32 s28  }
0xcb: {  	v2 =	vld [tilespmem:s0+$0x9D30];
	_ =	sdelay $0x4  }
0xcc: {  	v1 =	vadd.f32 v1, v2;
	_ =	sdelay $0x1  }
0xcd: {  	[tilespmem:s0+$0x9D30] =	vst v1  }
0xce: {  	[tilespmem:s31], [sflag:$0x1] =	stream.linear.gather [spmem:s18], $0x280, $0x38;
	[tilespmem:$0xCA30] =	vst v63  }
0xcf: {  	_ =	swait.ge [sflag:s25], $0x280  }
0xd0: {  	[sflag:s25] =	ssyncset.done $0x0  }
0xd1: {  	s0 =	simm.s32 $0x0;
	[sflag:s25] =	ssyncadd.s32 $0xFFFFFD80  }
0xd2: {  	s26 =	simm.s32 $0x40;
	v1 =	vld [tilespmem:s0+$0x9FB0]  }
.LBB2_26:
0xd3: {  	p0 =	sne.s32 s26, $0x9C0;
	v2 =	vld [tilespmem:s0+$0x9D30];
	_ =	sdelay $0x2  }
.Ltmp12:
0xd4: {  	(pc) =	sbr.rel @p0 .LBB2_26-.Ltmp12, $4  }
0xd5: {  	_ = 	snop  }
0xd6: {  	v2 =	vadd.f32 v1, v2  }
0xd7: {  	s28 =	sshra.s32 s26, $0x2  }
0xd8: {  	s26 =	sadd.s32 $0x40, s26;
	v1 =	vld [tilespmem:s28+$0x9FB0];
	[tilespmem:s0+$0x9D30] =	vst v2;
	s0 =	smov.u32 s28  }
0xd9: {  	v2 =	vld [tilespmem:s0+$0x9D30];
	_ =	sdelay $0x4  }
0xda: {  	v1 =	vadd.f32 v1, v2;
	_ =	sdelay $0x1  }
0xdb: {  	[tilespmem:s0+$0x9D30] =	vst v1  }
0xdc: {  	[tilespmem:s31], [sflag:$0x1] =	stream.linear.gather [spmem:s19], $0x280, $0x38;
	[tilespmem:$0xCA30] =	vst v63  }
0xdd: {  	_ =	swait.ge [sflag:s25], $0x280  }
0xde: {  	[sflag:s25] =	ssyncset.done $0x0  }
0xdf: {  	s0 =	simm.s32 $0x0;
	[sflag:s25] =	ssyncadd.s32 $0xFFFFFD80  }
0xe0: {  	s26 =	simm.s32 $0x40;
	v1 =	vld [tilespmem:s0+$0x9FB0]  }
.LBB2_28:
0xe1: {  	p0 =	sne.s32 s26, $0x9C0;
	v2 =	vld [tilespmem:s0+$0x9D30];
	_ =	sdelay $0x2  }
.Ltmp13:
0xe2: {  	(pc) =	sbr.rel @p0 .LBB2_28-.Ltmp13, $4  }
0xe3: {  	_ = 	snop  }
0xe4: {  	v2 =	vadd.f32 v1, v2  }
0xe5: {  	s28 =	sshra.s32 s26, $0x2  }
0xe6: {  	s26 =	sadd.s32 $0x40, s26;
	v1 =	vld [tilespmem:s28+$0x9FB0];
	[tilespmem:s0+$0x9D30] =	vst v2;
	s0 =	smov.u32 s28  }
0xe7: {  	v2 =	vld [tilespmem:s0+$0x9D30];
	_ =	sdelay $0x4  }
0xe8: {  	v1 =	vadd.f32 v1, v2;
	_ =	sdelay $0x1  }
0xe9: {  	[tilespmem:s0+$0x9D30] =	vst v1  }
0xea: {  	[tilespmem:s31], [sflag:$0x1] =	stream.linear.gather [spmem:s20], $0x280, $0x38;
	[tilespmem:$0xCA30] =	vst v63  }
0xeb: {  	_ =	swait.ge [sflag:s25], $0x280  }
0xec: {  	[sflag:s25] =	ssyncset.done $0x0  }
0xed: {  	s0 =	simm.s32 $0x0;
	[sflag:s25] =	ssyncadd.s32 $0xFFFFFD80  }
0xee: {  	s26 =	simm.s32 $0x40;
	v1 =	vld [tilespmem:s0+$0x9FB0]  }
.LBB2_30:
0xef: {  	p0 =	sne.s32 s26, $0x9C0;
	v2 =	vld [tilespmem:s0+$0x9D30];
	_ =	sdelay $0x2  }
.Ltmp14:
0xf0: {  	(pc) =	sbr.rel @p0 .LBB2_30-.Ltmp14, $4  }
0xf1: {  	_ = 	snop  }
0xf2: {  	v2 =	vadd.f32 v1, v2  }
0xf3: {  	s28 =	sshra.s32 s26, $0x2  }
0xf4: {  	s26 =	sadd.s32 $0x40, s26;
	v1 =	vld [tilespmem:s28+$0x9FB0];
	[tilespmem:s0+$0x9D30] =	vst v2;
	s0 =	smov.u32 s28  }
0xf5: {  	v2 =	vld [tilespmem:s0+$0x9D30];
	_ =	sdelay $0x4  }
0xf6: {  	v1 =	vadd.f32 v1, v2;
	_ =	sdelay $0x1  }
0xf7: {  	[tilespmem:s0+$0x9D30] =	vst v1  }
0xf8: {  	[tilespmem:s31], [sflag:$0x1] =	stream.linear.gather [spmem:s21], $0x280, $0x38;
	[tilespmem:$0xCA30] =	vst v63  }
0xf9: {  	_ =	swait.ge [sflag:s25], $0x280  }
0xfa: {  	[sflag:s25] =	ssyncset.done $0x0  }
0xfb: {  	s0 =	simm.s32 $0x0;
	[sflag:s25] =	ssyncadd.s32 $0xFFFFFD80  }
0xfc: {  	s26 =	simm.s32 $0x40;
	v1 =	vld [tilespmem:s0+$0x9FB0]  }
.LBB2_32:
0xfd: {  	p0 =	sne.s32 s26, $0x9C0;
	v2 =	vld [tilespmem:s0+$0x9D30];
	_ =	sdelay $0x2  }
.Ltmp15:
0xfe: {  	(pc) =	sbr.rel @p0 .LBB2_32-.Ltmp15, $4  }
0xff: {  	_ = 	snop  }
0x100: {  	v2 =	vadd.f32 v1, v2  }
0x101: {  	s28 =	sshra.s32 s26, $0x2  }
0x102: {  	s26 =	sadd.s32 $0x40, s26;
	v1 =	vld [tilespmem:s28+$0x9FB0];
	[tilespmem:s0+$0x9D30] =	vst v2;
	s0 =	smov.u32 s28  }
0x103: {  	v2 =	vld [tilespmem:s0+$0x9D30];
	_ =	sdelay $0x4  }
0x104: {  	v1 =	vadd.f32 v1, v2;
	_ =	sdelay $0x1  }
0x105: {  	[tilespmem:s0+$0x9D30] =	vst v1  }
0x106: {  	[tilespmem:s31], [sflag:$0x1] =	stream.linear.gather [spmem:s22], $0x280, $0x38;
	[tilespmem:$0xCA30] =	vst v63  }
0x107: {  	_ =	swait.ge [sflag:s25], $0x280  }
0x108: {  	[sflag:s25] =	ssyncset.done $0x0  }
0x109: {  	s0 =	simm.s32 $0x0;
	[sflag:s25] =	ssyncadd.s32 $0xFFFFFD80  }
0x10a: {  	s26 =	simm.s32 $0x40;
	v1 =	vld [tilespmem:s0+$0x9FB0]  }
.LBB2_34:
0x10b: {  	p0 =	sne.s32 s26, $0x9C0;
	v2 =	vld [tilespmem:s0+$0x9D30];
	_ =	sdelay $0x2  }
.Ltmp16:
0x10c: {  	(pc) =	sbr.rel @p0 .LBB2_34-.Ltmp16, $4  }
0x10d: {  	_ = 	snop  }
0x10e: {  	v2 =	vadd.f32 v1, v2  }
0x10f: {  	s28 =	sshra.s32 s26, $0x2  }
0x110: {  	s26 =	sadd.s32 $0x40, s26;
	v1 =	vld [tilespmem:s28+$0x9FB0];
	[tilespmem:s0+$0x9D30] =	vst v2;
	s0 =	smov.u32 s28  }
0x111: {  	v2 =	vld [tilespmem:s0+$0x9D30];
	_ =	sdelay $0x4  }
0x112: {  	s1 =	sadd.s32 $0x1, s1;
	v1 =	vadd.f32 v1, v2  }
0x113: {  	p0 =	sne.s32 s1, s24  }
.Ltmp17:
0x114: {  	[tilespmem:s0+$0x9D30] =	vst v1;
	(pc) =	sbr.rel @p0 .LBB2_1-.Ltmp17, $4  }
0x115: {  	[hbm4b:s23+s2] =	stream.linear.scatter [tilespmem:s30], [sflag:$0x1], $0x280, $0x38;
	[tilespmem:$0xCA30] =	vst v63  }
0x116: {  	_ =	swait.ge [sflag:s25], $0x280  }
0x117: {  	[sflag:s25] =	ssyncset.done $0x0  }
0x118: {  	[sflag:s25] =	ssyncadd.s32 $0xFFFFFD80  }
0x119: {  	_ =	sfence.sel $0x180000  }
0x11a: {  	[bflag:$0x0] =	sbarrier.arrive $0xFFFF  }
0x11b: {  	_ =	strace $0x9000004A  }
0x11c: {  	s0 =	stileid.u32;
	[bflag:$0x2] =	sbarrier.arrive $0xFFFF  }
0x11d: {  	p0 =	sne.s32 s0, $0x0;
	s0 =	rddreg [dreg:$0x3]  }
0x11e: {  	s0 =	sadd.s32 @!p0 $0x100000, s0  }
0x11f: {  	[sflag:s0] =	ssyncadd.tile.s32 @!p0 $0x1;
	_ =	shalt  }
.Lfunc_end2:
_tile_overlayer_lowered:
.L_overlay_start_2:
0x120: {  	(tag) =	ssettag $0x2  }
0x121: {  	s0 =	rddreg [dreg:$0x0];
	s2 =	stileid.u32  }
0x122: {  	s1 =	rddreg [dreg:$0x1];
	p0 =	sne.s32 s2, $0x0  }
0x123: {  	s3 =	rddreg [dreg:$0x2];
	[bflag:$0x3] =	sbarrier.arrive $0xFFFF;
	s2 =	simm.s32 @!p0 $0x1C01  }
0x124: {  	[timem:s3], [sflag:s2] =	dma.local @!p0 [hbm:s0], s1  }
0x125: {  	s0 =	simm.s32 @!p0 $0x1  }
0x126: {  	_ =	swait.ge @!p0 [sflag:s0], s1  }
0x127: {  	s1 =	ssub.s32 @!p0 $0x0, s1;
	[sflag:s0] =	ssyncset.done @!p0 $0x0  }
0x128: {  	[sflag:s0] =	ssyncadd.s32 @!p0 s1  }
0x129: {  	[bflag:$0x3] =	sbarrier.arrive $0xFFFF  }
0x12a: {  	_ =	shalt  }

// kernel: _run.7.cloned.1.call-start
scs
__scs_entry_jumppad:
0x0: {  	(pc) =	sbr.rel $0x88, $3  }
0x1: {  	(tag) =	ssettag $0x0;
	lr =	simm.s32 $0x1  }
0x2: {  	[smem:$0x3F99] =	sst lr;
	_ =	strace $0xD0000000  }
0x3: {  	_ = 	snop  }
0x4: {  	_ = 	snop  }
0x5: {  	_ = 	snop  }
0x6: {  	_ = 	snop  }
0x7: {  	_ = 	snop  }
__scs_overlays_trampoline_lowered:
0x8: {  	[smem:$0x3FA8] =	sst s0  }
0x9: {  	[smem:$0x3FA9] =	sst s1  }
0xa: {  	[smem:$0x3FAA] =	sst s2  }
0xb: {  	[smem:$0x3FAB] =	sst s3  }
0xc: {  	[smem:$0x3FAC] =	sst s4  }
0xd: {  	[smem:$0x3FAD] =	sst s5  }
0xe: {  	[smem:$0x3FAE] =	sst s6  }
0xf: {  	[smem:$0x3FAF] =	sst s7  }
0x10: {  	[smem:$0x3FB0] =	sst s8  }
0x11: {  	[smem:$0x3FB1] =	sst s9;
	s0 =	simm.s32 @!p0 $0x0  }
0x12: {  	s1 =	sld [smem:$0x3F97];
	s0 =	simm.s32 @p0 $0x1  }
0x13: {  	[smem:$0x3FB2] =	sst s0;
	s0 =	simm.s32 @!p1 $0x0  }
0x14: {  	s2 =	sld [smem:$0x3F96];
	s0 =	simm.s32 @p1 $0x1  }
0x15: {  	[smem:$0x3FB3] =	sst s0;
	s0 =	simm.s32 @!p2 $0x0  }
0x16: {  	s3 =	sld [smem:$0x3FDB];
	s0 =	simm.s32 @p2 $0x1  }
0x17: {  	s4 =	simm.s32 $0x1BF5;
	[smem:$0x3FB5] =	sst s0  }
0x18: {  	s0 =	sld [smem:$0x3F98];
	_ =	swait.ge [sflag:s4], $0x0  }
0x19: {  	s7 =	sld [smem:$0x3F99]  }
0x1a: {  	s8 =	sadd.s32 $0xFFFFE003, lr  }
0x1b: {  	s9 =	sadd.s32 $0xFFFFFEF7, lr;
	s5 =	simm.s32 $0xFFFFFFFF;
	p2 =	slt.u32 s8, $0xFFFFF086  }
0x1c: {  	p1 =	slt.u32 s9, $0xF7A;
	s5 =	simm.s32 @!p2 $0x0  }
0x1d: {  	s5 =	simm.s32 @p1 $0x1;
	p0 =	seq.s32 s7, s2  }
0x1e: {  	s7 =	smul.u32 @!p0 $0xF7A, s2;
	p2 =	seq.s32 @!p0 s5, $0x0  }
0x1f: {  	s9 =	smul.u32 $0xF7A, s1;
	s8 =	simm.s32 @!p0 $0x1BF5;
	p2 =	por !p2, p0  }
0x20: {  	[sflag:s8] =	ssyncset.s32 @!p0 $0xFFFFF086;
	s6 =	sadd.s32 @!p0 s3, s7;
	s7 =	simm.s32 @!p0 $0x108  }
0x21: {  	s3 =	sadd.s32 s3, s9;
	s6 =	sadd.s32 @!p0 $0x88, s6;
	s7 =	simm.s32 @p2 $0x1082  }
0x22: {  	[simem:s7], [sflag:s8] =	dma.local @!p0 [hbm:s6], $0xF7A  }
0x23: {  	s9 =	sor.u32 $0xD0000000, s2;
	s6 =	simm.s32 $0x108;
	_ =	swait.ge @!p0 [sflag:s8], $0x0  }
0x24: {  	s3 =	sadd.s32 $0x88, s3;
	s6 =	simm.s32 @!p1 $0x1082;
	[sflag:s4] =	ssyncset.s32 $0xFFFFF086  }
0x25: {  	[simem:s6], [sflag:s4] =	dma.local [hbm:s3], $0xF7A  }
0x26: {  	[smem:$0x3F99] =	sst s1;
	(tag) =	ssettag s2;
	_ =	strace s9  }
0x27: {  	s1 =	sld [smem:$0x3FA9]  }
0x28: {  	s2 =	sld [smem:$0x3FAA]  }
0x29: {  	s4 =	sld [smem:$0x3FAC]  }
0x2a: {  	p0 =	seq.s32 s5, $0x0;
	s5 =	sld [smem:$0x3FAD]  }
0x2b: {  	s6 =	sld [smem:$0x3FAE]  }
0x2c: {  	s7 =	sld [smem:$0x3FAF]  }
0x2d: {  	s3 =	simm.s32 $0x108;
	s8 =	sld [smem:$0x3FB0]  }
0x2e: {  	s3 =	simm.s32 @!p0 $0x1082;
	s9 =	sld [smem:$0x3FB1]  }
0x2f: {  	lr =	sadd.s32 s0, s3;
	s0 =	sld [smem:$0x3FA8]  }
0x30: {  	s3 =	sld [smem:$0x3FAB]  }
0x31: {  	[smem:$0x3FB4] =	sst s10  }
0x32: {  	s10 =	sld [smem:$0x3FB2];
	_ =	sdelay $0x3  }
0x33: {  	p0 =	seq.s32 s10, $0x1;
	s10 =	sld [smem:$0x3FB4];
	_ =	sdelay $0x3  }
0x34: {  	[smem:$0x3FB4] =	sst s10  }
0x35: {  	s10 =	sld [smem:$0x3FB3];
	_ =	sdelay $0x3  }
0x36: {  	p1 =	seq.s32 s10, $0x1;
	s10 =	sld [smem:$0x3FB4];
	_ =	sdelay $0x3  }
0x37: {  	[smem:$0x3FB4] =	sst s10  }
0x38: {  	s10 =	sld [smem:$0x3FB5]  }
0x39: {  	_ = 	snop;
	(pc) =	sbr.ind lr, $3  }
0x3a: {  	_ = 	snop  }
0x3b: {  	_ = 	snop  }
0x3c: {  	p2 =	seq.s32 s10, $0x1;
	s10 =	sld [smem:$0x3FB4]  }
0x3d: {  	_ =	shalt  }
0x3e: {  	_ =	shalt  }
0x3f: {  	_ =	shalt  }
0x40: {  	_ =	shalt  }
0x41: {  	_ =	shalt  }
0x42: {  	_ =	shalt  }
0x43: {  	_ =	shalt  }
0x44: {  	_ =	shalt  }
0x45: {  	_ =	shalt  }
0x46: {  	_ =	shalt  }
0x47: {  	_ =	shalt  }
0x48: {  	_ =	shalt  }
0x49: {  	_ =	shalt  }
0x4a: {  	_ =	shalt  }
0x4b: {  	_ =	shalt  }
0x4c: {  	_ =	shalt  }
0x4d: {  	_ =	shalt  }
0x4e: {  	_ =	shalt  }
0x4f: {  	_ =	shalt  }
0x50: {  	_ =	shalt  }
0x51: {  	_ =	shalt  }
0x52: {  	_ =	shalt  }
0x53: {  	_ =	shalt  }
0x54: {  	_ =	shalt  }
0x55: {  	_ =	shalt  }
0x56: {  	_ =	shalt  }
0x57: {  	_ =	shalt  }
0x58: {  	_ =	shalt  }
0x59: {  	_ =	shalt  }
0x5a: {  	_ =	shalt  }
0x5b: {  	_ =	shalt  }
0x5c: {  	_ =	shalt  }
0x5d: {  	_ =	shalt  }
0x5e: {  	_ =	shalt  }
0x5f: {  	_ =	shalt  }
0x60: {  	_ =	shalt  }
0x61: {  	_ =	shalt  }
0x62: {  	_ =	shalt  }
0x63: {  	_ =	shalt  }
0x64: {  	_ =	shalt  }
0x65: {  	_ =	shalt  }
0x66: {  	_ =	shalt  }
0x67: {  	_ =	shalt  }
0x68: {  	_ =	shalt  }
0x69: {  	_ =	shalt  }
0x6a: {  	_ =	shalt  }
0x6b: {  	_ =	shalt  }
0x6c: {  	_ =	shalt  }
0x6d: {  	_ =	shalt  }
0x6e: {  	_ =	shalt  }
0x6f: {  	_ =	shalt  }
0x70: {  	_ =	shalt  }
0x71: {  	_ =	shalt  }
0x72: {  	_ =	shalt  }
0x73: {  	_ =	shalt  }
0x74: {  	_ =	shalt  }
0x75: {  	_ =	shalt  }
0x76: {  	_ =	shalt  }
0x77: {  	_ =	shalt  }
0x78: {  	_ =	shalt  }
0x79: {  	_ =	shalt  }
0x7a: {  	_ =	shalt  }
0x7b: {  	_ =	shalt  }
0x7c: {  	_ =	shalt  }
0x7d: {  	_ =	shalt  }
0x7e: {  	_ =	shalt  }
0x7f: {  	_ =	shalt  }
0x80: {  	_ =	shalt  }
0x81: {  	_ =	shalt  }
0x82: {  	_ =	shalt  }
0x83: {  	_ =	shalt  }
0x84: {  	_ =	shalt  }
0x85: {  	_ =	shalt  }
0x86: {  	_ =	shalt  }
0x87: {  	_ =	shalt  }
.Lfunc_end0:
.L_simem_size_0:
called_computation_lowered:
.L_overlay_start_0:
0x88: {  	s2 =	sld [smem:$0x3FD9]  }
0x89: {  	s3 =	sld [smem:$0x3FFE];
	_ =	sdelay $0x1  }
0x8a: {  	s1 =	srdreg.scid  }
0x8b: {  	s0 =	sand.u32 $0x1, s1  }
0x8c: {  	s14 =	sshll.u32 s0, $0xA;
	s2 =	sadd.s32 s3, s2  }
0x8d: {  	s2 =	sadd.s32 s2, s14  }
0x8e: {  	[smem:$0x3FC0] =	sst s2  }
0x8f: {  	_ = 	snop  }
0x90: {  	s2 =	sld [smem:$0x3FD0];
	_ =	sdelay $0x2  }
0x91: {  	s15 =	simm.s32 $0xA;
	s4 =	simm.s32 $0x10  }
0x92: {  	[smem:s4], [sflag:s15] =	dma.local [hbm:s2], $0x1  }
0x93: {  	_ =	swait.eq [sflag:s15], $0x1  }
0x94: {  	[sflag:s15] =	ssyncset.done $0x0  }
0x95: {  	[sflag:s15] =	ssyncadd.s32 $0xFFFFFFFF  }
0x96: {  	s16 =	sld [smem:$0x10];
	(tm) =	ssettm $0x1  }
0x97: {  	s17 =	sld [smem:$0x3FFB];
	_ =	sdelay $0x3  }
0x98: {  	_ =	strace s17  }
0x99: {  	s3 =	sld [smem:$0x3FFC];
	_ =	sdelay $0x3  }
0x9a: {  	_ =	strace s3  }
0x9b: {  	s3 =	sld [smem:$0x3FFD];
	_ =	sdelay $0x3  }
0x9c: {  	_ =	strace s3  }
0x9d: {  	_ =	strace $0x8FFFFFFF  }
0x9e: {  	s18 =	sld [smem:$0x3FDB];
	_ =	sdelay $0x1  }
0x9f: {  	s19 =	simm.s32 $_scs_section_size  }
0xa0: {  	s5 =	simm.s32 $_size__tile_overlayer_lowered;
	s6 =	simm.s32 $_tile_overlayer_lowered  }
0xa1: {  	s22 =	simm.s32 $0x1BFF;
	s21 =	sshll.u32 s6, $0x1;
	s3 =	sadd.s32 s19, s18  }
0xa2: {  	s7 =	simm.s32 $0x0;
	s20 =	sshll.u32 s5, $0x1;
	s5 =	sadd.s32 s21, s3  }
0xa3: {  	[timem:s7], [sflag:s22] =	dma.local [hbm:s5], s20  }
0xa4: {  	_ =	swait.ge [sflag:s22], s20  }
0xa5: {  	s4 =	ssub.s32 $0x0, s20;
	[sflag:s22] =	ssyncset.done $0x0  }
0xa6: {  	[sflag:s22] =	ssyncadd.s32 s4;
	_ =	sdelay $0x1  }
0xa7: {  	s23 =	simm.s32 $0x1B8B  }
0xa8: {  	_ =	swait.ge [sflag:s23], $0x1  }
0xa9: {  	[sflag:s23] =	ssyncset.done $0x0  }
0xaa: {  	s25 =	simm.s32 $0x1B8E;
	s24 =	sld [smem:$0x3FFE];
	[sflag:s23] =	ssyncadd.s32 $0xFFFFFFFF  }
0xab: {  	s26 =	simm.s32 $execute0_lowered;
	[smem:$0x3FD2] =	sst s25  }
0xac: {  	s5 =	sshll.u32 s26, $0x1;
	_ =	strace $0x80000046;
	[dreg:$0x1] =	wrdreg $0xFFFFFFFF  }
0xad: {  	s28 =	simm.s32 $_size_execute0_lowered;
	s3 =	sadd.s32 s3, s5;
	[dreg:$0x0] =	wrdreg $0x0  }
0xae: {  	s5 =	sshll.u32 s28, $0x1;
	[dreg:$0x2] =	wrdreg s3  }
0xaf: {  	[dreg:$0x3] =	wrdreg s5  }
0xb0: {  	[dreg:$0x4] =	wrdreg $0xC0  }
0xb1: {  	_ =	task [dreg:s7], $0x5FFFF  }
0xb2: {  	[dreg:$0x1] =	wrdreg $0xFFFFFFFF  }
0xb3: {  	[dreg:$0x0] =	wrdreg $0x60  }
0xb4: {  	[dreg:$0x2] =	wrdreg s16  }
0xb5: {  	[dreg:$0x3] =	wrdreg s24  }
0xb6: {  	[dreg:$0x4] =	wrdreg $0x9  }
0xb7: {  	_ =	task.clear_ibuf [dreg:s7], $0x5FFFF;
	_ =	strace $0x90000046  }
0xb8: {  	s29 =	simm.s32 $0x9;
	_ =	strace $0x80000048  }
0xb9: {  	_ =	swait.ge [sflag:s29], $0x1  }
0xba: {  	[sflag:s29] =	ssyncadd.s32 $0xFFFFFFFF  }
0xbb: {  	_ =	strace $0x90000048  }
0xbc: {  	_ =	sfence  }
0xbd: {  	s30 =	sld [smem:$0x0];
	_ =	sdelay $0x2  }
0xbe: {  	s31 =	sshll.u32 s1, $0xD;
	s1 =	sshrl.u32 s1, $0x2  }
0xbf: {  	s3 =	sand.u32 $0x4000, s31;
	s1 =	sadd.s32 s1, s30  }
0xc0: {  	s0 =	sor.u32 s3, s0;
	s1 =	sshll.u32 s1, $0x11  }
0xc1: {  	s0 =	sor.u32 s1, s0  }
0xc2: {  	s0 =	sadd.s32 $0x8F2B, s0  }
0xc3: {  	[sflag:s0] =	ssyncadd.remote.s32 $0x1  }
0xc4: {  	_ =	sfence.sel $0xFFFF  }
0xc5: {  	[dreg:$0x0] =	wrdreg $0xFFFFFFFF;
	(pc) =	sbr.abs _section_cstart, $3  }
0xc6: {  	[dreg:$0x1] =	wrdreg $0xFFFFFFFF  }
0xc7: {  	_ =	task.clear_ibuf [dreg:s7], $0x2FFFF;
	_ =	strace $0x9FFFFFFF  }
0xc8: {  	(tm) =	ssettm $0x7FFFFFFF  }
0xc9: {  	_ =	shalt  }
tec
execute0_lowered:
.L_overlay_start_1:
0x0: {  	(tag) =	ssettag $0x1  }
0x1: {  	s1 =	srdreg.scid;
	s2 =	rddreg [dreg:$0x0]  }
0x2: {  	s0 =	stileid.u32;
	s7 =	rddreg [dreg:$0x1];
	s12 =	simm.s32 $0x5  }
0x3: {  	s13 =	simm.s32 $0x2710;
	s14 =	simm.s32 $0x50;
	s15 =	simm.s32 $0x4E20  }
0x4: {  	s16 =	simm.s32 $0x6220;
	s17 =	simm.s32 $0x7620;
	s18 =	simm.s32 $0x8A20  }
0x5: {  	s19 =	simm.s32 $0x1;
	s20 =	simm.s32 $0x40;
	s21 =	simm.s32 $0x80  }
0x6: {  	s1 =	sand.u32 $0x1, s1;
	s3 =	sshll.u32 s0, $0x1;
	s6 =	sshrl.u32 s0, $0x3  }
0x7: {  	s22 =	simm.s32 $0x3;
	s3 =	sor.u32 s1, s3;
	s4 =	smul.u32 $0xFFFD8F00, s6  }
0x8: {  	s23 =	simm.s32 $0x2;
	s24 =	simm.s32 $0x4;
	s8 =	smul.u32 $0x2710, s3  }
0x9: {  	s25 =	simm.s32 $0x0;
	s5 =	sadd.s32 $0x2200, s7;
	s6 =	sshll.u32 s6, $0x6  }
0xa: {  	s1 =	ssub.s32 $0x2, s1;
	s3 =	simm.s32 $0x0;
	s4 =	sadd.s32 s4, s8  }
0xb: {  	s31 =	sshrl.u32 s1, $0x1;
	[smem:$0x7FF] =	sst s3;
	s9 =	sshll.u32 s4, $0x7  }
0xc: {  	s1 =	ssub.s32 s1, s31;
	s8 =	sshrl.u32 s8, $0x3;
	s9 =	sor.u32 s6, s9  }
0xd: {  	_ =	strace $0x80000047;
	s10 =	sadd.s32 s8, s7;
	s9 =	sadd.s32 $0x136000, s9  }
0xe: {  	s7 =	sadd.s32 $0x29600, s7;
	s8 =	sadd.s32 $0x15C00, s10;
	s11 =	sshrl.u32 s9, $0x3  }
0xf: {  	s9 =	sadd.s32 $0x1F840, s10;
	s10 =	sadd.s32 s7, s11;
	s11 =	smax.u32 s1, $0x1  }
.LBB2_1:
0x10: {  	[tilespmem:s3], [sflag:$0x5] =	stream.linear.gather [hbm4b:s8+s3], $0x2710, $0x38;
	[tilespmem:$0x9E20] =	vst v63  }
0x11: {  	_ =	swait.ge [sflag:s12], $0x2710  }
0x12: {  	[sflag:s12] =	ssyncset.done $0x0  }
0x13: {  	[sflag:s12] =	ssyncadd.s32 $0xFFFFD8F0  }
0x14: {  	[tilespmem:s13], [sflag:$0x5] =	stream.linear.gather [hbm4b:s9+s3], $0x2710, $0x38;
	[tilespmem:$0x9E20] =	vst v63  }
0x15: {  	_ =	swait.ge [sflag:s12], $0x2710  }
0x16: {  	[sflag:s12] =	ssyncset.done $0x0  }
0x17: {  	[sflag:s12] =	ssyncadd.s32 $0xFFFFD8F0  }
0x18: {  	[tilespmem:s15], [sflag:$0x1] =	stream.indirect.gather [hbm4b:s2+s14], $0x40, s3, s14, $0xb8;
	[tilespmem:$0x9E20] =	vst v63  }
0x19: {  	s26 =	simm.s32 $0x0  }
0x1a: {  	[tilespmem:s16], [sflag:$0x1] =	stream.indirect.gather [hbm4b:s5+s14], $0x40, s13, s14, $0xb8;
	[tilespmem:$0x9E20] =	vst v63  }
.LBB2_2:
0x1b: {  	s29 =	smul.u32 $0xA0, s26;
	_ =	sdelay $0x1  }
0x1c: {  	s28 =	sadd.s32 $0x50, s29  }
0x1d: {  	[tilespmem:s17], [sflag:$0x2] =	stream.indirect.gather [hbm4b:s2+s14], $0x40, s28, s14, $0xb8;
	[tilespmem:$0x9E20] =	vst v63  }
0x1e: {  	s1 =	sadd.s32 $0x2760, s29  }
0x1f: {  	[tilespmem:s18], [sflag:$0x2] =	stream.indirect.gather [hbm4b:s5+s14], $0x40, s1, s14, $0xb8;
	[tilespmem:$0x9E20] =	vst v63  }
0x20: {  	_ =	swait.ge [sflag:s19], $0x1400  }
0x21: {  	[sflag:s19] =	ssyncset.done $0x0  }
0x22: {  	[sflag:s19] =	ssyncadd.s32 $0xFFFFEC00  }
0x23: {  	_ =	swait.ge [sflag:s19], $0x1400  }
0x24: {  	[sflag:s19] =	ssyncset.done $0x0  }
0x25: {  	s30 =	simm.s32 $0x0;
	[sflag:s19] =	ssyncadd.s32 $0xFFFFEC00  }
0x26: {  	v1 =	vld [tilespmem:s30+$0x6250]  }
0x27: {  	v2 =	vld [tilespmem:s30+$0x6220]  }
0x28: {  	v3 =	vld [tilespmem:s30+$0x6230]  }
0x29: {  	v0 =	vld [tilespmem:s30+$0x6240];
	_ =	sdelay $0x1  }
0x2a: {  	[tilespmem:s30+$0x4E50] =	vst.add.f32.msk $0xffff, v1  }
0x2b: {  	[tilespmem:s30+$0x4E20] =	vst.add.f32.msk $0xffff, v2  }
0x2c: {  	s31 =	simm.s32 $0x40;
	s1 =	simm.s32 $0x200;
	[tilespmem:s30+$0x4E30] =	vst.add.f32.msk $0xffff, v3  }
.LBB2_3:
0x2d: {  	p0 =	sne.s32 s1, $0x4F00;
	v1 =	vld [tilespmem:s31+$0x6250];
	v2 =	vmov v0  }
0x2e: {  	v3 =	vld [tilespmem:s31+$0x6220]  }
0x2f: {  	v4 =	vld [tilespmem:s31+$0x6230]  }
.Ltmp0:
0x30: {  	v0 =	vld [tilespmem:s31+$0x6240];
	(pc) =	sbr.rel @p0 .LBB2_3-.Ltmp0, $4  }
0x31: {  	[tilespmem:s30+$0x4E40] =	vst.add.f32.msk $0xffff, v2;
	s30 =	smov.u32 s31  }
0x32: {  	[tilespmem:s30+$0x4E50] =	vst.add.f32.msk $0xffff, v1  }
0x33: {  	[tilespmem:s30+$0x4E20] =	vst.add.f32.msk $0xffff, v3  }
0x34: {  	s31 =	sshra.s32 s1, $0x2;
	s1 =	sadd.s32 $0x100, s1;
	[tilespmem:s30+$0x4E30] =	vst.add.f32.msk $0xffff, v4  }
0x35: {  	v1 =	vld [tilespmem:s31+$0x6250]  }
0x36: {  	v2 =	vld [tilespmem:s31+$0x6220]  }
0x37: {  	v3 =	vld [tilespmem:s31+$0x6230]  }
0x38: {  	v4 =	vld [tilespmem:s31+$0x6240]  }
0x39: {  	[tilespmem:s30+$0x4E40] =	vst.add.f32.msk $0xffff, v0;
	s1 =	sadd.s32 s4, s29  }
0x3a: {  	s1 =	sshll.u32 s1, $0x7;
	[tilespmem:s31+$0x4E50] =	vst.add.f32.msk $0xffff, v1  }
0x3b: {  	s1 =	sor.u32 s6, s1;
	[tilespmem:s31+$0x4E20] =	vst.add.f32.msk $0xffff, v2  }
0x3c: {  	s1 =	sshrl.u32 s1, $0x3;
	[tilespmem:s31+$0x4E30] =	vst.add.f32.msk $0xffff, v3  }
0x3d: {  	s1 =	sadd.s32 s7, s1;
	[tilespmem:s31+$0x4E40] =	vst.add.f32.msk $0xffff, v4  }
0x3e: {  	[hbm4b:s1+s20] =	stream.strided.scatter [tilespmem:s15], [sflag:$0x3], $0x1400, s21, s20, $0x38;
	[tilespmem:$0x9E20] =	vst v63  }
0x3f: {  	_ =	swait.ge [sflag:s22], $0x1400  }
0x40: {  	[sflag:s22] =	ssyncset.done $0x0  }
0x41: {  	s31 =	sadd.s32 $0xA0, s29;
	[sflag:s22] =	ssyncadd.s32 $0xFFFFEC00  }
0x42: {  	[tilespmem:s15], [sflag:$0x1] =	stream.indirect.gather [hbm4b:s2+s14], $0x40, s31, s14, $0xb8;
	[tilespmem:$0x9E20] =	vst v63  }
0x43: {  	s31 =	sadd.s32 $0x27B0, s29  }
0x44: {  	[tilespmem:s16], [sflag:$0x1] =	stream.indirect.gather [hbm4b:s5+s14], $0x40, s31, s14, $0xb8;
	[tilespmem:$0x9E20] =	vst v63  }
0x45: {  	_ =	swait.ge [sflag:s23], $0x1400  }
0x46: {  	[sflag:s23] =	ssyncset.done $0x0  }
0x47: {  	[sflag:s23] =	ssyncadd.s32 $0xFFFFEC00  }
0x48: {  	_ =	swait.ge [sflag:s23], $0x1400  }
0x49: {  	[sflag:s23] =	ssyncset.done $0x0  }
0x4a: {  	s29 =	simm.s32 $0x0;
	[sflag:s23] =	ssyncadd.s32 $0xFFFFEC00  }
0x4b: {  	v1 =	vld [tilespmem:s29+$0x8A50]  }
0x4c: {  	v2 =	vld [tilespmem:s29+$0x8A20]  }
0x4d: {  	v3 =	vld [tilespmem:s29+$0x8A30]  }
0x4e: {  	v0 =	vld [tilespmem:s29+$0x8A40];
	_ =	sdelay $0x1  }
0x4f: {  	[tilespmem:s29+$0x7650] =	vst.add.f32.msk $0xffff, v1  }
0x50: {  	[tilespmem:s29+$0x7620] =	vst.add.f32.msk $0xffff, v2  }
0x51: {  	s30 =	simm.s32 $0x40;
	s1 =	simm.s32 $0x200;
	[tilespmem:s29+$0x7630] =	vst.add.f32.msk $0xffff, v3  }
.LBB2_5:
0x52: {  	p0 =	sne.s32 s1, $0x4F00;
	v1 =	vld [tilespmem:s30+$0x8A50];
	v2 =	vmov v0  }
0x53: {  	v3 =	vld [tilespmem:s30+$0x8A20]  }
0x54: {  	v4 =	vld [tilespmem:s30+$0x8A30]  }
.Ltmp1:
0x55: {  	v0 =	vld [tilespmem:s30+$0x8A40];
	(pc) =	sbr.rel @p0 .LBB2_5-.Ltmp1, $4  }
0x56: {  	[tilespmem:s29+$0x7640] =	vst.add.f32.msk $0xffff, v2;
	s29 =	smov.u32 s30  }
0x57: {  	[tilespmem:s29+$0x7650] =	vst.add.f32.msk $0xffff, v1  }
0x58: {  	[tilespmem:s29+$0x7620] =	vst.add.f32.msk $0xffff, v3  }
0x59: {  	s30 =	sshra.s32 s1, $0x2;
	s1 =	sadd.s32 $0x100, s1;
	[tilespmem:s29+$0x7630] =	vst.add.f32.msk $0xffff, v4  }
0x5a: {  	v1 =	vld [tilespmem:s30+$0x8A50]  }
0x5b: {  	v2 =	vld [tilespmem:s30+$0x8A20]  }
0x5c: {  	v3 =	vld [tilespmem:s30+$0x8A30]  }
0x5d: {  	v4 =	vld [tilespmem:s30+$0x8A40]  }
0x5e: {  	[tilespmem:s29+$0x7640] =	vst.add.f32.msk $0xffff, v0;
	s1 =	sadd.s32 s4, s28  }
0x5f: {  	p0 =	seq.s32 s26, $0x3D;
	s1 =	sshll.u32 s1, $0x7;
	[tilespmem:s30+$0x7650] =	vst.add.f32.msk $0xffff, v1  }
0x60: {  	s26 =	sadd.s32 @!p0 $0x1, s26;
	s1 =	sor.u32 s6, s1;
	[tilespmem:s30+$0x7620] =	vst.add.f32.msk $0xffff, v2  }
0x61: {  	p1 =	sne.s32 @!p0 s26, $0x3E;
	s1 =	sshrl.u32 s1, $0x3;
	[tilespmem:s30+$0x7630] =	vst.add.f32.msk $0xffff, v3  }
0x62: {  	p1 =	por p0, !p1;
	s1 =	sadd.s32 s7, s1;
	[tilespmem:s30+$0x7640] =	vst.add.f32.msk $0xffff, v4  }
0x63: {  	[hbm4b:s1+s20] =	stream.strided.scatter [tilespmem:s17], [sflag:$0x4], $0x1400, s21, s20, $0x38;
	[tilespmem:$0x9E20] =	vst v63  }
.Ltmp2:
0x64: {  	_ = 	snop;
	(pc) =	sbr.rel @!p1 .LBB2_2-.Ltmp2, $4  }
0x65: {  	s1 =	simm.s32 @!p0 $0x4  }
0x66: {  	_ =	swait.ge @!p0 [sflag:s1], $0x1400  }
0x67: {  	[sflag:s1] =	ssyncset.done @!p0 $0x0  }
0x68: {  	[sflag:s1] =	ssyncadd.s32 @!p0 $0xFFFFEC00  }
0x69: {  	_ =	swait.ge [sflag:s19], $0x1400  }
0x6a: {  	[sflag:s19] =	ssyncset.done $0x0  }
0x6b: {  	[sflag:s19] =	ssyncadd.s32 $0xFFFFEC00  }
0x6c: {  	_ =	swait.ge [sflag:s19], $0x1400  }
0x6d: {  	[sflag:s19] =	ssyncset.done $0x0  }
0x6e: {  	s26 =	simm.s32 $0x0;
	[sflag:s19] =	ssyncadd.s32 $0xFFFFEC00  }
0x6f: {  	v1 =	vld [tilespmem:s26+$0x6250]  }
0x70: {  	v2 =	vld [tilespmem:s26+$0x6220]  }
0x71: {  	v3 =	vld [tilespmem:s26+$0x6230]  }
0x72: {  	v0 =	vld [tilespmem:s26+$0x6240];
	_ =	sdelay $0x1  }
0x73: {  	[tilespmem:s26+$0x4E50] =	vst.add.f32.msk $0xffff, v1  }
0x74: {  	[tilespmem:s26+$0x4E20] =	vst.add.f32.msk $0xffff, v2  }
0x75: {  	s28 =	simm.s32 $0x40;
	s1 =	simm.s32 $0x200;
	[tilespmem:s26+$0x4E30] =	vst.add.f32.msk $0xffff, v3  }
.LBB2_8:
0x76: {  	p0 =	sne.s32 s1, $0x4F00;
	v1 =	vld [tilespmem:s28+$0x6250];
	v2 =	vmov v0  }
0x77: {  	v3 =	vld [tilespmem:s28+$0x6220]  }
0x78: {  	v4 =	vld [tilespmem:s28+$0x6230]  }
.Ltmp3:
0x79: {  	v0 =	vld [tilespmem:s28+$0x6240];
	(pc) =	sbr.rel @p0 .LBB2_8-.Ltmp3, $4  }
0x7a: {  	[tilespmem:s26+$0x4E40] =	vst.add.f32.msk $0xffff, v2;
	s26 =	smov.u32 s28  }
0x7b: {  	[tilespmem:s26+$0x4E50] =	vst.add.f32.msk $0xffff, v1  }
0x7c: {  	[tilespmem:s26+$0x4E20] =	vst.add.f32.msk $0xffff, v3  }
0x7d: {  	s28 =	sshra.s32 s1, $0x2;
	s1 =	sadd.s32 $0x100, s1;
	[tilespmem:s26+$0x4E30] =	vst.add.f32.msk $0xffff, v4  }
0x7e: {  	v1 =	vld [tilespmem:s28+$0x6250]  }
0x7f: {  	v2 =	vld [tilespmem:s28+$0x6220]  }
0x80: {  	v3 =	vld [tilespmem:s28+$0x6230]  }
0x81: {  	v4 =	vld [tilespmem:s28+$0x6240]  }
0x82: {  	[tilespmem:s26+$0x4E40] =	vst.add.f32.msk $0xffff, v0  }
0x83: {  	[tilespmem:s28+$0x4E50] =	vst.add.f32.msk $0xffff, v1  }
0x84: {  	[tilespmem:s28+$0x4E20] =	vst.add.f32.msk $0xffff, v2  }
0x85: {  	[tilespmem:s28+$0x4E30] =	vst.add.f32.msk $0xffff, v3  }
0x86: {  	s25 =	sadd.s32 $0x1, s25;
	[tilespmem:s28+$0x4E40] =	vst.add.f32.msk $0xffff, v4  }
0x87: {  	[hbm4b:s10+s20] =	stream.strided.scatter [tilespmem:s15], [sflag:$0x3], $0x1400, s21, s20, $0x38;
	[tilespmem:$0x9E20] =	vst v63  }
0x88: {  	p0 =	sne.s32 s25, s11;
	_ =	swait.ge [sflag:s24], $0x1400  }
.Ltmp4:
0x89: {  	[sflag:s24] =	ssyncset.done $0x0;
	(pc) =	sbr.rel @p0 .LBB2_1-.Ltmp4, $4  }
0x8a: {  	[sflag:s24] =	ssyncadd.s32 $0xFFFFEC00  }
0x8b: {  	_ =	swait.ge [sflag:s22], $0x1400  }
0x8c: {  	[sflag:s22] =	ssyncset.done $0x0  }
0x8d: {  	[sflag:s22] =	ssyncadd.s32 $0xFFFFEC00  }
0x8e: {  	_ =	sfence.sel $0x180000  }
0x8f: {  	[bflag:$0x0] =	sbarrier.arrive $0xFFFF  }
0x90: {  	_ =	strace $0x90000047  }
0x91: {  	[bflag:$0x2] =	sbarrier.arrive $0xFFFF  }
0x92: {  	p0 =	sne.s32 s0, $0x0;
	s0 =	rddreg [dreg:$0x2]  }
0x93: {  	s0 =	sadd.s32 @!p0 $0x100000, s0  }
0x94: {  	[sflag:s0] =	ssyncadd.tile.s32 @!p0 $0x1;
	_ =	shalt  }
.Lfunc_end2:
_tile_overlayer_lowered:
.L_overlay_start_2:
0x95: {  	(tag) =	ssettag $0x2  }
0x96: {  	s0 =	rddreg [dreg:$0x0];
	s2 =	stileid.u32  }
0x97: {  	s1 =	rddreg [dreg:$0x1];
	p0 =	sne.s32 s2, $0x0  }
0x98: {  	s3 =	rddreg [dreg:$0x2];
	[bflag:$0x3] =	sbarrier.arrive $0xFFFF;
	s2 =	simm.s32 @!p0 $0x1C05  }
0x99: {  	[timem:s3], [sflag:s2] =	dma.local @!p0 [hbm:s0], s1  }
0x9a: {  	s0 =	simm.s32 @!p0 $0x5  }
0x9b: {  	_ =	swait.ge @!p0 [sflag:s0], s1  }
0x9c: {  	s1 =	ssub.s32 @!p0 $0x0, s1;
	[sflag:s0] =	ssyncset.done @!p0 $0x0  }
0x9d: {  	[sflag:s0] =	ssyncadd.s32 @!p0 s1  }
0x9e: {  	[bflag:$0x3] =	sbarrier.arrive $0xFFFF  }
0x9f: {  	_ =	shalt  }

</sc_bundles>
